<compile_context>
chip_gen: v7x
topology: tpu7x:2x2x1
jax: 0.10.2.dev20260603
libtpu: 0.0.44.dev20260713+nightly
codegen_flags: <defaults>
</compile_context>

<pallas_src>
import functools

import jax
import jax.numpy as jnp
from jax import lax
from jax.experimental import pallas as pl
from jax.experimental.pallas import tpu as pltpu
from jax.experimental.pallas import tpu_sc as plsc

V = 100000
D = 128
H = 256
B = 1024
T = 50
G = 4 * H

_NW = 32
_CHUNK = 80


def _sc_gather(table, idx):
    n = idx.shape[0]
    bpw = n // _NW
    nch = bpw // _CHUNK
    idx3 = idx.reshape(_NW, nch, _CHUNK)
    mesh = plsc.VectorSubcoreMesh(core_axis_name="c", subcore_axis_name="s")

    @functools.partial(
        pl.kernel,
        out_type=jax.ShapeDtypeStruct((n, D), jnp.float32),
        mesh=mesh,
        scratch_types=[
            pltpu.VMEM((nch, _CHUNK), jnp.int32),
            pltpu.VMEM((_CHUNK, D), jnp.float32),
            pltpu.VMEM((_CHUNK, D), jnp.float32),
            pltpu.SemaphoreType.DMA,
            pltpu.SemaphoreType.DMA,
        ],
    )
    def gather_k(table_hbm, idx_hbm, out_hbm, idx_v, rows0, rows1, sem0, sem1):
        wid = lax.axis_index("s") * 2 + lax.axis_index("c")
        base = wid * bpw
        pltpu.sync_copy(idx_hbm.at[wid], idx_v)
        rows = (rows0, rows1)
        sems = (sem0, sem1)
        pending = pltpu.async_copy(table_hbm.at[idx_v.at[0]], rows0, sem0)
        for ci in range(nch):
            pending.wait()
            if ci + 1 < nch:
                nxt = pltpu.async_copy(
                    table_hbm.at[idx_v.at[ci + 1]], rows[(ci + 1) % 2],
                    sems[(ci + 1) % 2])
            pltpu.sync_copy(rows[ci % 2],
                            out_hbm.at[pl.ds(base + ci * _CHUNK, _CHUNK)])
            if ci + 1 < nch:
                pending = nxt

    return gather_k(table, idx3)


def _dotT(a, w):
    return lax.dot_general(a.astype(jnp.bfloat16), w, (((1,), (1,)), ((), ())),
                           preferred_element_type=jnp.float32)


def _sig(v):
    return 0.5 * jnp.tanh(0.5 * v) + 0.5


def _scan_body(xf_ref, xb_ref, wf_ref, bf_ref, wb_ref, bb_ref,
               hsf_ref, hsb_ref, pool_ref, hf, cf, hb, cb):
    t = pl.program_id(0)

    @pl.when(t == 0)
    def _init():
        hf[...] = jnp.zeros_like(hf)
        cf[...] = jnp.zeros_like(cf)
        hb[...] = jnp.zeros_like(hb)
        cb[...] = jnp.zeros_like(cb)
        pool_ref[...] = jnp.zeros_like(pool_ref)

    def cell(x, h, c, w, bias):
        xh = jnp.concatenate([x.astype(jnp.bfloat16), h], axis=1)
        gates = _dotT(xh, w).astype(jnp.bfloat16) + bias
        i = _sig(gates[:, 0 * H:1 * H])
        f = _sig(gates[:, 1 * H:2 * H])
        g = jnp.tanh(gates[:, 2 * H:3 * H])
        o = _sig(gates[:, 3 * H:4 * H])
        c_new = f.astype(jnp.float32) * c + (i * g).astype(jnp.float32)
        h_new = o * jnp.tanh(c_new).astype(jnp.bfloat16)
        return h_new, c_new

    HB = B // 4
    for lo in (0, HB, 2 * HB, 3 * HB):
        rows = pl.ds(lo, HB)
        h_f, c_f = cell(xf_ref[0, rows], hf[rows], cf[rows], wf_ref[...],
                        bf_ref[...])
        hf[rows] = h_f
        cf[rows] = c_f
        hsf_ref[0, rows] = h_f

        h_b, c_b = cell(xb_ref[0, rows], hb[rows], cb[rows], wb_ref[...],
                        bb_ref[...])
        hb[rows] = h_b
        cb[rows] = c_b
        hsb_ref[0, rows] = h_b

        pool_ref[rows, :H] += h_f.astype(jnp.float32) * (1.0 / T)
        pool_ref[rows, H:] += h_b.astype(jnp.float32) * (1.0 / T)


def _bilstm_scan(emb3, wf, bf, wb, bb):
    const = lambda *_: (0, 0)
    return pl.pallas_call(
        _scan_body,
        grid=(T,),
        in_specs=[
            pl.BlockSpec((1, B, D), lambda t: (t, 0, 0)),
            pl.BlockSpec((1, B, D), lambda t: (T - 1 - t, 0, 0)),
            pl.BlockSpec((G, D + H), const),
            pl.BlockSpec((1, G), const),
            pl.BlockSpec((G, D + H), const),
            pl.BlockSpec((1, G), const),
        ],
        out_specs=[
            pl.BlockSpec((1, B, H), lambda t: (t, 0, 0)),
            pl.BlockSpec((1, B, H), lambda t: (T - 1 - t, 0, 0)),
            pl.BlockSpec((B, 2 * H), const),
        ],
        out_shape=[
            jax.ShapeDtypeStruct((T, B, H), jnp.bfloat16),
            jax.ShapeDtypeStruct((T, B, H), jnp.bfloat16),
            jax.ShapeDtypeStruct((B, 2 * H), jnp.float32),
        ],
        scratch_shapes=[
            pltpu.VMEM((B, H), jnp.bfloat16),
            pltpu.VMEM((B, H), jnp.float32),
            pltpu.VMEM((B, H), jnp.bfloat16),
            pltpu.VMEM((B, H), jnp.float32),
        ],
    )(emb3, emb3, wf, bf, wb, bb)


def kernel(title_text_token_ids, embedding_weight, W_ih_f, W_hh_f, b_ih_f,
           b_hh_f, W_ih_b, W_hh_b, b_ih_b, b_hh_b):
    idx = title_text_token_ids.astype(jnp.int32).T.reshape(-1)
    emb = _sc_gather(embedding_weight, idx)
    emb3 = emb.reshape(T, B, D)
    bf = (b_ih_f + b_hh_f).reshape(1, G).astype(jnp.bfloat16)
    bb = (b_ih_b + b_hh_b).reshape(1, G).astype(jnp.bfloat16)
    wf = jnp.concatenate([W_ih_f, W_hh_f], axis=1).astype(jnp.bfloat16)
    wb = jnp.concatenate([W_ih_b, W_hh_b], axis=1).astype(jnp.bfloat16)
    hs_f, hs_b, pool = _bilstm_scan(emb3, wf, bf, wb, bb)
    lstm_out = jnp.concatenate(
        [hs_f.transpose(1, 0, 2), hs_b.transpose(1, 0, 2)],
        axis=-1).astype(jnp.float32)
    return (lstm_out, pool)

# --- scband reference (transcript-rebuilt; emitter-appended) ---
"""Pipeline reference for scband-bi-lstm-12128987644231 (READ-ONLY COPY).

The authoritative reference and input builder live on the scoring server;
editing this copy changes nothing except your own understanding.
"""

import jax, jax.numpy as jnp
import numpy as np

V = 100000
D = 128
H = 256
B = 1024
T = 50


def setup_inputs(seed: int = 0) -> dict:
    key = jax.random.key(seed)
    ks = jax.random.split(key, 12)
    s = 1.0 / np.sqrt(H)
    inp = {}
    inp['title_text_token_ids'] = jax.random.randint(ks[0], (B, T), 0, V)
    inp['embedding_weight'] = jax.random.normal(ks[1], (V, D), dtype=jnp.float32) * 0.02
    inp['W_ih_f'] = jax.random.uniform(ks[2], (4 * H, D), jnp.float32, -s, s)
    inp['W_hh_f'] = jax.random.uniform(ks[3], (4 * H, H), jnp.float32, -s, s)
    inp['b_ih_f'] = jax.random.uniform(ks[4], (4 * H,), jnp.float32, -s, s)
    inp['b_hh_f'] = jax.random.uniform(ks[5], (4 * H,), jnp.float32, -s, s)
    inp['W_ih_b'] = jax.random.uniform(ks[6], (4 * H, D), jnp.float32, -s, s)
    inp['W_hh_b'] = jax.random.uniform(ks[7], (4 * H, H), jnp.float32, -s, s)
    inp['b_ih_b'] = jax.random.uniform(ks[8], (4 * H,), jnp.float32, -s, s)
    inp['b_hh_b'] = jax.random.uniform(ks[9], (4 * H,), jnp.float32, -s, s)
    return inp


def _lstm_dir(x, Wih, Whh, bih, bhh, reverse):
    # x: [B, T, D] -> out: [B, T, H]; PyTorch gate order i, f, g, o
    xs = jnp.swapaxes(x, 0, 1)  # [T, B, D]
    if reverse:
        xs = xs[::-1]
    b = x.shape[0]
    h0 = jnp.zeros((b, H), dtype=x.dtype)
    c0 = jnp.zeros((b, H), dtype=x.dtype)

    def step(carry, xt):
        h, c = carry
        gates = xt @ Wih.T + h @ Whh.T + bih + bhh
        i, f, g, o = jnp.split(gates, 4, axis=-1)
        i = jax.nn.sigmoid(i)
        f = jax.nn.sigmoid(f)
        g = jnp.tanh(g)
        o = jax.nn.sigmoid(o)
        c_new = f * c + i * g
        h_new = o * jnp.tanh(c_new)
        return (h_new, c_new), h_new

    _, hs = jax.lax.scan(step, (h0, c0), xs)
    if reverse:
        hs = hs[::-1]
    return jnp.swapaxes(hs, 0, 1)


def reference(title_text_token_ids, embedding_weight, W_ih_f, W_hh_f, b_ih_f, b_hh_f, W_ih_b, W_hh_b, b_ih_b, b_hh_b):
    emb = jnp.take(embedding_weight, title_text_token_ids, axis=0)  # [B, T, D]
    out_f = _lstm_dir(emb, W_ih_f, W_hh_f, b_ih_f, b_hh_f, reverse=False)
    out_b = _lstm_dir(emb, W_ih_b, W_hh_b, b_ih_b, b_hh_b, reverse=True)
    lstm_out = jnp.concatenate([out_f, out_b], axis=-1)  # [B, T, 2H]
    lstm_out_pool = jnp.mean(lstm_out, axis=1)  # [B, 2H]
    return (lstm_out, lstm_out_pool)

if __name__ == "__main__":
    import jax
    _d = setup_inputs()
    print(jax.jit(kernel)(*tuple(_d.values())))

</pallas_src>

<mosaic_0001>
#map = affine_map<(d0, d1) -> (0, 0)>
#map1 = affine_map<(d0, d1) -> (0, 0, 0)>
module attributes {stable_mosaic.version = 14 : i64} {
  func.func @gather_k(%arg0: i32, %arg1: i32, %arg2: memref<100000x128xf32, #tpu.memory_space<hbm>>, %arg3: memref<32x20x80xi32, #tpu.memory_space<hbm>>, %arg4: memref<51200x128xf32, #tpu.memory_space<hbm>>, %arg5: memref<20x80xi32, #tpu.memory_space<vmem>>, %arg6: memref<80x128xf32, #tpu.memory_space<vmem>>, %arg7: memref<80x128xf32, #tpu.memory_space<vmem>>, %arg8: memref<!tpu.dma_semaphore, #tpu.memory_space<semaphore_mem>>, %arg9: memref<!tpu.dma_semaphore, #tpu.memory_space<semaphore_mem>>) attributes {dimension_semantics = [#tpu.dimension_semantics<core_parallel>, #tpu.dimension_semantics<subcore_parallel>], iteration_bounds = array<i64: 2, 16>, scalar_prefetch = 0 : i64, scratch_operands = 5 : i64, tpu.core_type = #tpu.core_type<sc_vector_subcore>, window_params = [{transform_indices = #map}, {transform_indices = #map1}, {transform_indices = #map}]} {
    %mul3A = arith.constant 2 : i32
    %mul3A_0 = arith.muli %arg1, %mul3A : i32
    %add3A = arith.addi %mul3A_0, %arg0 : i32
    %mul3A_1 = arith.constant 1600 : i32
    %mul3A_2 = arith.muli %add3A, %mul3A_1 : i32
    "tpu.region"() ({
      %run_scoped3A = tpu.sem_alloc : memref<!tpu.dma_semaphore, #tpu.memory_space<semaphore_mem>>
      %dma_start3A_321 = arith.constant 0 : i32
      %dma_start3A_322 = arith.constant 0 : i32
      %dma_start3A_323 = tpu.memref_slice %arg3[%add3A, %dma_start3A_321, %dma_start3A_322] : memref<32x20x80xi32, #tpu.memory_space<hbm>> -> memref<1x20x80xi32, #tpu.memory_space<hbm>>
      %dma_start3A_324 = tpu.memref_squeeze %dma_start3A_323 : memref<1x20x80xi32, #tpu.memory_space<hbm>> -> memref<20x80xi32, #tpu.memory_space<hbm>>
      %dma_start3A_325 = arith.constant 0 : i32
      %dma_start3A_326 = arith.constant 0 : i32
      %dma_start3A_327 = tpu.memref_slice %arg3[%add3A, %dma_start3A_325, %dma_start3A_326] : memref<32x20x80xi32, #tpu.memory_space<hbm>> -> memref<1x20x80xi32, #tpu.memory_space<hbm>>
      %dma_start3A_328 = tpu.memref_squeeze %dma_start3A_327 : memref<1x20x80xi32, #tpu.memory_space<hbm>> -> memref<20x80xi32, #tpu.memory_space<hbm>>
      tpu.enqueue_dma source(%dma_start3A_328 : memref<20x80xi32, #tpu.memory_space<hbm>>) target(%arg5 : memref<20x80xi32, #tpu.memory_space<vmem>>) target_semaphore(%run_scoped3A : memref<!tpu.dma_semaphore, #tpu.memory_space<semaphore_mem>>)
      %dma_wait3A_329 = arith.constant 0 : i32
      %dma_wait3A_330 = arith.constant 0 : i32
      %dma_wait3A_331 = tpu.memref_slice %arg3[%add3A, %dma_wait3A_329, %dma_wait3A_330] : memref<32x20x80xi32, #tpu.memory_space<hbm>> -> memref<1x20x80xi32, #tpu.memory_space<hbm>>
      %dma_wait3A_332 = tpu.memref_squeeze %dma_wait3A_331 : memref<1x20x80xi32, #tpu.memory_space<hbm>> -> memref<20x80xi32, #tpu.memory_space<hbm>>
      %dma_wait3A_333 = arith.constant 0 : i32
      %dma_wait3A_334 = arith.constant 0 : i32
      %dma_wait3A_335 = tpu.memref_slice %arg3[%add3A, %dma_wait3A_333, %dma_wait3A_334] : memref<32x20x80xi32, #tpu.memory_space<hbm>> -> memref<1x20x80xi32, #tpu.memory_space<hbm>>
      %dma_wait3A_336 = tpu.memref_squeeze %dma_wait3A_335 : memref<1x20x80xi32, #tpu.memory_space<hbm>> -> memref<20x80xi32, #tpu.memory_space<hbm>>
      tpu.wait_dma2 semaphore(%run_scoped3A : memref<!tpu.dma_semaphore, #tpu.memory_space<semaphore_mem>>) src(%dma_wait3A_336 : memref<20x80xi32, #tpu.memory_space<hbm>>) dst(%arg5 : memref<20x80xi32, #tpu.memory_space<vmem>>)
      tpu.yield
    }) : () -> ()
    %dma_start3A = arith.constant 0 : i32
    %dma_start3A_3 = arith.constant 0 : i32
    %dma_start3A_4 = tpu.memref_slice %arg5[%dma_start3A, %dma_start3A_3] : memref<20x80xi32, #tpu.memory_space<vmem>> -> memref<1x80xi32, #tpu.memory_space<vmem>>
    %dma_start3A_5 = tpu.memref_squeeze %dma_start3A_4 : memref<1x80xi32, #tpu.memory_space<vmem>> -> memref<80xi32, #tpu.memory_space<vmem>>
    %dma_start3A_6 = arith.constant 0 : i32
    %dma_start3A_7 = arith.constant 0 : i32
    %dma_start3A_8 = tpu.memref_slice %arg2[%dma_start3A_6, %dma_start3A_7] : memref<100000x128xf32, #tpu.memory_space<hbm>> -> memref<100000x128xf32, #tpu.memory_space<hbm>>
    tpu.enqueue_indirect_dma source(%dma_start3A_8 : memref<100000x128xf32, #tpu.memory_space<hbm>>) target(%arg6 : memref<80x128xf32, #tpu.memory_space<vmem>>) offsets(%dma_start3A_5 : memref<80xi32, #tpu.memory_space<vmem>>) semaphore(%arg8 : memref<!tpu.dma_semaphore, #tpu.memory_space<semaphore_mem>>)
    %dma_wait3A = arith.constant 0 : i32
    %dma_wait3A_9 = arith.constant 0 : i32
    %dma_wait3A_10 = tpu.memref_slice %arg5[%dma_wait3A, %dma_wait3A_9] : memref<20x80xi32, #tpu.memory_space<vmem>> -> memref<1x80xi32, #tpu.memory_space<vmem>>
    %dma_wait3A_11 = tpu.memref_squeeze %dma_wait3A_10 : memref<1x80xi32, #tpu.memory_space<vmem>> -> memref<80xi32, #tpu.memory_space<vmem>>
    %dma_wait3A_12 = arith.constant 0 : i32
    %dma_wait3A_13 = arith.constant 0 : i32
    %dma_wait3A_14 = tpu.memref_slice %arg2[%dma_wait3A_12, %dma_wait3A_13] : memref<100000x128xf32, #tpu.memory_space<hbm>> -> memref<100000x128xf32, #tpu.memory_space<hbm>>
    tpu.wait_indirect_dma semaphore(%arg8 : memref<!tpu.dma_semaphore, #tpu.memory_space<semaphore_mem>>) src(%dma_wait3A_14 : memref<100000x128xf32, #tpu.memory_space<hbm>>) dst(%arg6 : memref<80x128xf32, #tpu.memory_space<vmem>>)
    %dma_start3A_15 = arith.constant 1 : i32
    %dma_start3A_16 = arith.constant 0 : i32
    %dma_start3A_17 = tpu.memref_slice %arg5[%dma_start3A_15, %dma_start3A_16] : memref<20x80xi32, #tpu.memory_space<vmem>> -> memref<1x80xi32, #tpu.memory_space<vmem>>
    %dma_start3A_18 = tpu.memref_squeeze %dma_start3A_17 : memref<1x80xi32, #tpu.memory_space<vmem>> -> memref<80xi32, #tpu.memory_space<vmem>>
    %dma_start3A_19 = arith.constant 0 : i32
    %dma_start3A_20 = arith.constant 0 : i32
    %dma_start3A_21 = tpu.memref_slice %arg2[%dma_start3A_19, %dma_start3A_20] : memref<100000x128xf32, #tpu.memory_space<hbm>> -> memref<100000x128xf32, #tpu.memory_space<hbm>>
    tpu.enqueue_indirect_dma source(%dma_start3A_21 : memref<100000x128xf32, #tpu.memory_space<hbm>>) target(%arg7 : memref<80x128xf32, #tpu.memory_space<vmem>>) offsets(%dma_start3A_18 : memref<80xi32, #tpu.memory_space<vmem>>) semaphore(%arg9 : memref<!tpu.dma_semaphore, #tpu.memory_space<semaphore_mem>>)
    %add3A_22 = arith.constant 0 : i32
    %add3A_23 = arith.addi %mul3A_2, %add3A_22 : i32
    "tpu.region"() ({
      %run_scoped3A = tpu.sem_alloc : memref<!tpu.dma_semaphore, #tpu.memory_space<semaphore_mem>>
      %dma_start3A_321 = arith.constant 0 : i32
      %dma_start3A_322 = tpu.memref_slice %arg4[%add3A_23, %dma_start3A_321] : memref<51200x128xf32, #tpu.memory_space<hbm>> -> memref<80x128xf32, #tpu.memory_space<hbm>>
      %dma_start3A_323 = arith.constant 0 : i32
      %dma_start3A_324 = tpu.memref_slice %arg4[%add3A_23, %dma_start3A_323] : memref<51200x128xf32, #tpu.memory_space<hbm>> -> memref<80x128xf32, #tpu.memory_space<hbm>>
      tpu.enqueue_dma source(%arg6 : memref<80x128xf32, #tpu.memory_space<vmem>>) target(%dma_start3A_324 : memref<80x128xf32, #tpu.memory_space<hbm>>) target_semaphore(%run_scoped3A : memref<!tpu.dma_semaphore, #tpu.memory_space<semaphore_mem>>)
      %dma_wait3A_325 = arith.constant 0 : i32
      %dma_wait3A_326 = tpu.memref_slice %arg4[%add3A_23, %dma_wait3A_325] : memref<51200x128xf32, #tpu.memory_space<hbm>> -> memref<80x128xf32, #tpu.memory_space<hbm>>
      %dma_wait3A_327 = arith.constant 0 : i32
      %dma_wait3A_328 = tpu.memref_slice %arg4[%add3A_23, %dma_wait3A_327] : memref<51200x128xf32, #tpu.memory_space<hbm>> -> memref<80x128xf32, #tpu.memory_space<hbm>>
      tpu.wait_dma2 semaphore(%run_scoped3A : memref<!tpu.dma_semaphore, #tpu.memory_space<semaphore_mem>>) src(%arg6 : memref<80x128xf32, #tpu.memory_space<vmem>>) dst(%dma_wait3A_328 : memref<80x128xf32, #tpu.memory_space<hbm>>)
      tpu.yield
    }) : () -> ()
    %dma_wait3A_24 = arith.constant 1 : i32
    %dma_wait3A_25 = arith.constant 0 : i32
    %dma_wait3A_26 = tpu.memref_slice %arg5[%dma_wait3A_24, %dma_wait3A_25] : memref<20x80xi32, #tpu.memory_space<vmem>> -> memref<1x80xi32, #tpu.memory_space<vmem>>
    %dma_wait3A_27 = tpu.memref_squeeze %dma_wait3A_26 : memref<1x80xi32, #tpu.memory_space<vmem>> -> memref<80xi32, #tpu.memory_space<vmem>>
    %dma_wait3A_28 = arith.constant 0 : i32
    %dma_wait3A_29 = arith.constant 0 : i32
    %dma_wait3A_30 = tpu.memref_slice %arg2[%dma_wait3A_28, %dma_wait3A_29] : memref<100000x128xf32, #tpu.memory_space<hbm>> -> memref<100000x128xf32, #tpu.memory_space<hbm>>
    tpu.wait_indirect_dma semaphore(%arg9 : memref<!tpu.dma_semaphore, #tpu.memory_space<semaphore_mem>>) src(%dma_wait3A_30 : memref<100000x128xf32, #tpu.memory_space<hbm>>) dst(%arg7 : memref<80x128xf32, #tpu.memory_space<vmem>>)
    %dma_start3A_31 = arith.constant 2 : i32
    %dma_start3A_32 = arith.constant 0 : i32
    %dma_start3A_33 = tpu.memref_slice %arg5[%dma_start3A_31, %dma_start3A_32] : memref<20x80xi32, #tpu.memory_space<vmem>> -> memref<1x80xi32, #tpu.memory_space<vmem>>
    %dma_start3A_34 = tpu.memref_squeeze %dma_start3A_33 : memref<1x80xi32, #tpu.memory_space<vmem>> -> memref<80xi32, #tpu.memory_space<vmem>>
    %dma_start3A_35 = arith.constant 0 : i32
    %dma_start3A_36 = arith.constant 0 : i32
    %dma_start3A_37 = tpu.memref_slice %arg2[%dma_start3A_35, %dma_start3A_36] : memref<100000x128xf32, #tpu.memory_space<hbm>> -> memref<100000x128xf32, #tpu.memory_space<hbm>>
    tpu.enqueue_indirect_dma source(%dma_start3A_37 : memref<100000x128xf32, #tpu.memory_space<hbm>>) target(%arg6 : memref<80x128xf32, #tpu.memory_space<vmem>>) offsets(%dma_start3A_34 : memref<80xi32, #tpu.memory_space<vmem>>) semaphore(%arg8 : memref<!tpu.dma_semaphore, #tpu.memory_space<semaphore_mem>>)
    %add3A_38 = arith.constant 80 : i32
    %add3A_39 = arith.addi %mul3A_2, %add3A_38 : i32
    "tpu.region"() ({
      %run_scoped3A = tpu.sem_alloc : memref<!tpu.dma_semaphore, #tpu.memory_space<semaphore_mem>>
      %dma_start3A_321 = arith.constant 0 : i32
      %dma_start3A_322 = tpu.memref_slice %arg4[%add3A_39, %dma_start3A_321] : memref<51200x128xf32, #tpu.memory_space<hbm>> -> memref<80x128xf32, #tpu.memory_space<hbm>>
      %dma_start3A_323 = arith.constant 0 : i32
      %dma_start3A_324 = tpu.memref_slice %arg4[%add3A_39, %dma_start3A_323] : memref<51200x128xf32, #tpu.memory_space<hbm>> -> memref<80x128xf32, #tpu.memory_space<hbm>>
      tpu.enqueue_dma source(%arg7 : memref<80x128xf32, #tpu.memory_space<vmem>>) target(%dma_start3A_324 : memref<80x128xf32, #tpu.memory_space<hbm>>) target_semaphore(%run_scoped3A : memref<!tpu.dma_semaphore, #tpu.memory_space<semaphore_mem>>)
      %dma_wait3A_325 = arith.constant 0 : i32
      %dma_wait3A_326 = tpu.memref_slice %arg4[%add3A_39, %dma_wait3A_325] : memref<51200x128xf32, #tpu.memory_space<hbm>> -> memref<80x128xf32, #tpu.memory_space<hbm>>
      %dma_wait3A_327 = arith.constant 0 : i32
      %dma_wait3A_328 = tpu.memref_slice %arg4[%add3A_39, %dma_wait3A_327] : memref<51200x128xf32, #tpu.memory_space<hbm>> -> memref<80x128xf32, #tpu.memory_space<hbm>>
      tpu.wait_dma2 semaphore(%run_scoped3A : memref<!tpu.dma_semaphore, #tpu.memory_space<semaphore_mem>>) src(%arg7 : memref<80x128xf32, #tpu.memory_space<vmem>>) dst(%dma_wait3A_328 : memref<80x128xf32, #tpu.memory_space<hbm>>)
      tpu.yield
    }) : () -> ()
    %dma_wait3A_40 = arith.constant 2 : i32
    %dma_wait3A_41 = arith.constant 0 : i32
    %dma_wait3A_42 = tpu.memref_slice %arg5[%dma_wait3A_40, %dma_wait3A_41] : memref<20x80xi32, #tpu.memory_space<vmem>> -> memref<1x80xi32, #tpu.memory_space<vmem>>
    %dma_wait3A_43 = tpu.memref_squeeze %dma_wait3A_42 : memref<1x80xi32, #tpu.memory_space<vmem>> -> memref<80xi32, #tpu.memory_space<vmem>>
    %dma_wait3A_44 = arith.constant 0 : i32
    %dma_wait3A_45 = arith.constant 0 : i32
    %dma_wait3A_46 = tpu.memref_slice %arg2[%dma_wait3A_44, %dma_wait3A_45] : memref<100000x128xf32, #tpu.memory_space<hbm>> -> memref<100000x128xf32, #tpu.memory_space<hbm>>
    tpu.wait_indirect_dma semaphore(%arg8 : memref<!tpu.dma_semaphore, #tpu.memory_space<semaphore_mem>>) src(%dma_wait3A_46 : memref<100000x128xf32, #tpu.memory_space<hbm>>) dst(%arg6 : memref<80x128xf32, #tpu.memory_space<vmem>>)
    %dma_start3A_47 = arith.constant 3 : i32
    %dma_start3A_48 = arith.constant 0 : i32
    %dma_start3A_49 = tpu.memref_slice %arg5[%dma_start3A_47, %dma_start3A_48] : memref<20x80xi32, #tpu.memory_space<vmem>> -> memref<1x80xi32, #tpu.memory_space<vmem>>
    %dma_start3A_50 = tpu.memref_squeeze %dma_start3A_49 : memref<1x80xi32, #tpu.memory_space<vmem>> -> memref<80xi32, #tpu.memory_space<vmem>>
    %dma_start3A_51 = arith.constant 0 : i32
    %dma_start3A_52 = arith.constant 0 : i32
    %dma_start3A_53 = tpu.memref_slice %arg2[%dma_start3A_51, %dma_start3A_52] : memref<100000x128xf32, #tpu.memory_space<hbm>> -> memref<100000x128xf32, #tpu.memory_space<hbm>>
    tpu.enqueue_indirect_dma source(%dma_start3A_53 : memref<100000x128xf32, #tpu.memory_space<hbm>>) target(%arg7 : memref<80x128xf32, #tpu.memory_space<vmem>>) offsets(%dma_start3A_50 : memref<80xi32, #tpu.memory_space<vmem>>) semaphore(%arg9 : memref<!tpu.dma_semaphore, #tpu.memory_space<semaphore_mem>>)
    %add3A_54 = arith.constant 160 : i32
    %add3A_55 = arith.addi %mul3A_2, %add3A_54 : i32
    "tpu.region"() ({
      %run_scoped3A = tpu.sem_alloc : memref<!tpu.dma_semaphore, #tpu.memory_space<semaphore_mem>>
      %dma_start3A_321 = arith.constant 0 : i32
      %dma_start3A_322 = tpu.memref_slice %arg4[%add3A_55, %dma_start3A_321] : memref<51200x128xf32, #tpu.memory_space<hbm>> -> memref<80x128xf32, #tpu.memory_space<hbm>>
      %dma_start3A_323 = arith.constant 0 : i32
      %dma_start3A_324 = tpu.memref_slice %arg4[%add3A_55, %dma_start3A_323] : memref<51200x128xf32, #tpu.memory_space<hbm>> -> memref<80x128xf32, #tpu.memory_space<hbm>>
      tpu.enqueue_dma source(%arg6 : memref<80x128xf32, #tpu.memory_space<vmem>>) target(%dma_start3A_324 : memref<80x128xf32, #tpu.memory_space<hbm>>) target_semaphore(%run_scoped3A : memref<!tpu.dma_semaphore, #tpu.memory_space<semaphore_mem>>)
      %dma_wait3A_325 = arith.constant 0 : i32
      %dma_wait3A_326 = tpu.memref_slice %arg4[%add3A_55, %dma_wait3A_325] : memref<51200x128xf32, #tpu.memory_space<hbm>> -> memref<80x128xf32, #tpu.memory_space<hbm>>
      %dma_wait3A_327 = arith.constant 0 : i32
      %dma_wait3A_328 = tpu.memref_slice %arg4[%add3A_55, %dma_wait3A_327] : memref<51200x128xf32, #tpu.memory_space<hbm>> -> memref<80x128xf32, #tpu.memory_space<hbm>>
      tpu.wait_dma2 semaphore(%run_scoped3A : memref<!tpu.dma_semaphore, #tpu.memory_space<semaphore_mem>>) src(%arg6 : memref<80x128xf32, #tpu.memory_space<vmem>>) dst(%dma_wait3A_328 : memref<80x128xf32, #tpu.memory_space<hbm>>)
      tpu.yield
    }) : () -> ()
    %dma_wait3A_56 = arith.constant 3 : i32
    %dma_wait3A_57 = arith.constant 0 : i32
    %dma_wait3A_58 = tpu.memref_slice %arg5[%dma_wait3A_56, %dma_wait3A_57] : memref<20x80xi32, #tpu.memory_space<vmem>> -> memref<1x80xi32, #tpu.memory_space<vmem>>
    %dma_wait3A_59 = tpu.memref_squeeze %dma_wait3A_58 : memref<1x80xi32, #tpu.memory_space<vmem>> -> memref<80xi32, #tpu.memory_space<vmem>>
    %dma_wait3A_60 = arith.constant 0 : i32
    %dma_wait3A_61 = arith.constant 0 : i32
    %dma_wait3A_62 = tpu.memref_slice %arg2[%dma_wait3A_60, %dma_wait3A_61] : memref<100000x128xf32, #tpu.memory_space<hbm>> -> memref<100000x128xf32, #tpu.memory_space<hbm>>
    tpu.wait_indirect_dma semaphore(%arg9 : memref<!tpu.dma_semaphore, #tpu.memory_space<semaphore_mem>>) src(%dma_wait3A_62 : memref<100000x128xf32, #tpu.memory_space<hbm>>) dst(%arg7 : memref<80x128xf32, #tpu.memory_space<vmem>>)
    %dma_start3A_63 = arith.constant 4 : i32
    %dma_start3A_64 = arith.constant 0 : i32
    %dma_start3A_65 = tpu.memref_slice %arg5[%dma_start3A_63, %dma_start3A_64] : memref<20x80xi32, #tpu.memory_space<vmem>> -> memref<1x80xi32, #tpu.memory_space<vmem>>
    %dma_start3A_66 = tpu.memref_squeeze %dma_start3A_65 : memref<1x80xi32, #tpu.memory_space<vmem>> -> memref<80xi32, #tpu.memory_space<vmem>>
    %dma_start3A_67 = arith.constant 0 : i32
    %dma_start3A_68 = arith.constant 0 : i32
    %dma_start3A_69 = tpu.memref_slice %arg2[%dma_start3A_67, %dma_start3A_68] : memref<100000x128xf32, #tpu.memory_space<hbm>> -> memref<100000x128xf32, #tpu.memory_space<hbm>>
    tpu.enqueue_indirect_dma source(%dma_start3A_69 : memref<100000x128xf32, #tpu.memory_space<hbm>>) target(%arg6 : memref<80x128xf32, #tpu.memory_space<vmem>>) offsets(%dma_start3A_66 : memref<80xi32, #tpu.memory_space<vmem>>) semaphore(%arg8 : memref<!tpu.dma_semaphore, #tpu.memory_space<semaphore_mem>>)
    %add3A_70 = arith.constant 240 : i32
    %add3A_71 = arith.addi %mul3A_2, %add3A_70 : i32
    "tpu.region"() ({
      %run_scoped3A = tpu.sem_alloc : memref<!tpu.dma_semaphore, #tpu.memory_space<semaphore_mem>>
      %dma_start3A_321 = arith.constant 0 : i32
      %dma_start3A_322 = tpu.memref_slice %arg4[%add3A_71, %dma_start3A_321] : memref<51200x128xf32, #tpu.memory_space<hbm>> -> memref<80x128xf32, #tpu.memory_space<hbm>>
      %dma_start3A_323 = arith.constant 0 : i32
      %dma_start3A_324 = tpu.memref_slice %arg4[%add3A_71, %dma_start3A_323] : memref<51200x128xf32, #tpu.memory_space<hbm>> -> memref<80x128xf32, #tpu.memory_space<hbm>>
      tpu.enqueue_dma source(%arg7 : memref<80x128xf32, #tpu.memory_space<vmem>>) target(%dma_start3A_324 : memref<80x128xf32, #tpu.memory_space<hbm>>) target_semaphore(%run_scoped3A : memref<!tpu.dma_semaphore, #tpu.memory_space<semaphore_mem>>)
      %dma_wait3A_325 = arith.constant 0 : i32
      %dma_wait3A_326 = tpu.memref_slice %arg4[%add3A_71, %dma_wait3A_325] : memref<51200x128xf32, #tpu.memory_space<hbm>> -> memref<80x128xf32, #tpu.memory_space<hbm>>
      %dma_wait3A_327 = arith.constant 0 : i32
      %dma_wait3A_328 = tpu.memref_slice %arg4[%add3A_71, %dma_wait3A_327] : memref<51200x128xf32, #tpu.memory_space<hbm>> -> memref<80x128xf32, #tpu.memory_space<hbm>>
      tpu.wait_dma2 semaphore(%run_scoped3A : memref<!tpu.dma_semaphore, #tpu.memory_space<semaphore_mem>>) src(%arg7 : memref<80x128xf32, #tpu.memory_space<vmem>>) dst(%dma_wait3A_328 : memref<80x128xf32, #tpu.memory_space<hbm>>)
      tpu.yield
    }) : () -> ()
    %dma_wait3A_72 = arith.constant 4 : i32
    %dma_wait3A_73 = arith.constant 0 : i32
    %dma_wait3A_74 = tpu.memref_slice %arg5[%dma_wait3A_72, %dma_wait3A_73] : memref<20x80xi32, #tpu.memory_space<vmem>> -> memref<1x80xi32, #tpu.memory_space<vmem>>
    %dma_wait3A_75 = tpu.memref_squeeze %dma_wait3A_74 : memref<1x80xi32, #tpu.memory_space<vmem>> -> memref<80xi32, #tpu.memory_space<vmem>>
    %dma_wait3A_76 = arith.constant 0 : i32
    %dma_wait3A_77 = arith.constant 0 : i32
    %dma_wait3A_78 = tpu.memref_slice %arg2[%dma_wait3A_76, %dma_wait3A_77] : memref<100000x128xf32, #tpu.memory_space<hbm>> -> memref<100000x128xf32, #tpu.memory_space<hbm>>
    tpu.wait_indirect_dma semaphore(%arg8 : memref<!tpu.dma_semaphore, #tpu.memory_space<semaphore_mem>>) src(%dma_wait3A_78 : memref<100000x128xf32, #tpu.memory_space<hbm>>) dst(%arg6 : memref<80x128xf32, #tpu.memory_space<vmem>>)
    %dma_start3A_79 = arith.constant 5 : i32
    %dma_start3A_80 = arith.constant 0 : i32
    %dma_start3A_81 = tpu.memref_slice %arg5[%dma_start3A_79, %dma_start3A_80] : memref<20x80xi32, #tpu.memory_space<vmem>> -> memref<1x80xi32, #tpu.memory_space<vmem>>
    %dma_start3A_82 = tpu.memref_squeeze %dma_start3A_81 : memref<1x80xi32, #tpu.memory_space<vmem>> -> memref<80xi32, #tpu.memory_space<vmem>>
    %dma_start3A_83 = arith.constant 0 : i32
    %dma_start3A_84 = arith.constant 0 : i32
    %dma_start3A_85 = tpu.memref_slice %arg2[%dma_start3A_83, %dma_start3A_84] : memref<100000x128xf32, #tpu.memory_space<hbm>> -> memref<100000x128xf32, #tpu.memory_space<hbm>>
    tpu.enqueue_indirect_dma source(%dma_start3A_85 : memref<100000x128xf32, #tpu.memory_space<hbm>>) target(%arg7 : memref<80x128xf32, #tpu.memory_space<vmem>>) offsets(%dma_start3A_82 : memref<80xi32, #tpu.memory_space<vmem>>) semaphore(%arg9 : memref<!tpu.dma_semaphore, #tpu.memory_space<semaphore_mem>>)
    %add3A_86 = arith.constant 320 : i32
    %add3A_87 = arith.addi %mul3A_2, %add3A_86 : i32
    "tpu.region"() ({
      %run_scoped3A = tpu.sem_alloc : memref<!tpu.dma_semaphore, #tpu.memory_space<semaphore_mem>>
      %dma_start3A_321 = arith.constant 0 : i32
      %dma_start3A_322 = tpu.memref_slice %arg4[%add3A_87, %dma_start3A_321] : memref<51200x128xf32, #tpu.memory_space<hbm>> -> memref<80x128xf32, #tpu.memory_space<hbm>>
      %dma_start3A_323 = arith.constant 0 : i32
      %dma_start3A_324 = tpu.memref_slice %arg4[%add3A_87, %dma_start3A_323] : memref<51200x128xf32, #tpu.memory_space<hbm>> -> memref<80x128xf32, #tpu.memory_space<hbm>>
      tpu.enqueue_dma source(%arg6 : memref<80x128xf32, #tpu.memory_space<vmem>>) target(%dma_start3A_324 : memref<80x128xf32, #tpu.memory_space<hbm>>) target_semaphore(%run_scoped3A : memref<!tpu.dma_semaphore, #tpu.memory_space<semaphore_mem>>)
      %dma_wait3A_325 = arith.constant 0 : i32
      %dma_wait3A_326 = tpu.memref_slice %arg4[%add3A_87, %dma_wait3A_325] : memref<51200x128xf32, #tpu.memory_space<hbm>> -> memref<80x128xf32, #tpu.memory_space<hbm>>
      %dma_wait3A_327 = arith.constant 0 : i32
      %dma_wait3A_328 = tpu.memref_slice %arg4[%add3A_87, %dma_wait3A_327] : memref<51200x128xf32, #tpu.memory_space<hbm>> -> memref<80x128xf32, #tpu.memory_space<hbm>>
      tpu.wait_dma2 semaphore(%run_scoped3A : memref<!tpu.dma_semaphore, #tpu.memory_space<semaphore_mem>>) src(%arg6 : memref<80x128xf32, #tpu.memory_space<vmem>>) dst(%dma_wait3A_328 : memref<80x128xf32, #tpu.memory_space<hbm>>)
      tpu.yield
    }) : () -> ()
    %dma_wait3A_88 = arith.constant 5 : i32
    %dma_wait3A_89 = arith.constant 0 : i32
    %dma_wait3A_90 = tpu.memref_slice %arg5[%dma_wait3A_88, %dma_wait3A_89] : memref<20x80xi32, #tpu.memory_space<vmem>> -> memref<1x80xi32, #tpu.memory_space<vmem>>
    %dma_wait3A_91 = tpu.memref_squeeze %dma_wait3A_90 : memref<1x80xi32, #tpu.memory_space<vmem>> -> memref<80xi32, #tpu.memory_space<vmem>>
    %dma_wait3A_92 = arith.constant 0 : i32
    %dma_wait3A_93 = arith.constant 0 : i32
    %dma_wait3A_94 = tpu.memref_slice %arg2[%dma_wait3A_92, %dma_wait3A_93] : memref<100000x128xf32, #tpu.memory_space<hbm>> -> memref<100000x128xf32, #tpu.memory_space<hbm>>
    tpu.wait_indirect_dma semaphore(%arg9 : memref<!tpu.dma_semaphore, #tpu.memory_space<semaphore_mem>>) src(%dma_wait3A_94 : memref<100000x128xf32, #tpu.memory_space<hbm>>) dst(%arg7 : memref<80x128xf32, #tpu.memory_space<vmem>>)
    %dma_start3A_95 = arith.constant 6 : i32
    %dma_start3A_96 = arith.constant 0 : i32
    %dma_start3A_97 = tpu.memref_slice %arg5[%dma_start3A_95, %dma_start3A_96] : memref<20x80xi32, #tpu.memory_space<vmem>> -> memref<1x80xi32, #tpu.memory_space<vmem>>
    %dma_start3A_98 = tpu.memref_squeeze %dma_start3A_97 : memref<1x80xi32, #tpu.memory_space<vmem>> -> memref<80xi32, #tpu.memory_space<vmem>>
    %dma_start3A_99 = arith.constant 0 : i32
    %dma_start3A_100 = arith.constant 0 : i32
    %dma_start3A_101 = tpu.memref_slice %arg2[%dma_start3A_99, %dma_start3A_100] : memref<100000x128xf32, #tpu.memory_space<hbm>> -> memref<100000x128xf32, #tpu.memory_space<hbm>>
    tpu.enqueue_indirect_dma source(%dma_start3A_101 : memref<100000x128xf32, #tpu.memory_space<hbm>>) target(%arg6 : memref<80x128xf32, #tpu.memory_space<vmem>>) offsets(%dma_start3A_98 : memref<80xi32, #tpu.memory_space<vmem>>) semaphore(%arg8 : memref<!tpu.dma_semaphore, #tpu.memory_space<semaphore_mem>>)
    %add3A_102 = arith.constant 400 : i32
    %add3A_103 = arith.addi %mul3A_2, %add3A_102 : i32
    "tpu.region"() ({
      %run_scoped3A = tpu.sem_alloc : memref<!tpu.dma_semaphore, #tpu.memory_space<semaphore_mem>>
      %dma_start3A_321 = arith.constant 0 : i32
      %dma_start3A_322 = tpu.memref_slice %arg4[%add3A_103, %dma_start3A_321] : memref<51200x128xf32, #tpu.memory_space<hbm>> -> memref<80x128xf32, #tpu.memory_space<hbm>>
      %dma_start3A_323 = arith.constant 0 : i32
      %dma_start3A_324 = tpu.memref_slice %arg4[%add3A_103, %dma_start3A_323] : memref<51200x128xf32, #tpu.memory_space<hbm>> -> memref<80x128xf32, #tpu.memory_space<hbm>>
      tpu.enqueue_dma source(%arg7 : memref<80x128xf32, #tpu.memory_space<vmem>>) target(%dma_start3A_324 : memref<80x128xf32, #tpu.memory_space<hbm>>) target_semaphore(%run_scoped3A : memref<!tpu.dma_semaphore, #tpu.memory_space<semaphore_mem>>)
      %dma_wait3A_325 = arith.constant 0 : i32
      %dma_wait3A_326 = tpu.memref_slice %arg4[%add3A_103, %dma_wait3A_325] : memref<51200x128xf32, #tpu.memory_space<hbm>> -> memref<80x128xf32, #tpu.memory_space<hbm>>
      %dma_wait3A_327 = arith.constant 0 : i32
      %dma_wait3A_328 = tpu.memref_slice %arg4[%add3A_103, %dma_wait3A_327] : memref<51200x128xf32, #tpu.memory_space<hbm>> -> memref<80x128xf32, #tpu.memory_space<hbm>>
      tpu.wait_dma2 semaphore(%run_scoped3A : memref<!tpu.dma_semaphore, #tpu.memory_space<semaphore_mem>>) src(%arg7 : memref<80x128xf32, #tpu.memory_space<vmem>>) dst(%dma_wait3A_328 : memref<80x128xf32, #tpu.memory_space<hbm>>)
      tpu.yield
    }) : () -> ()
    %dma_wait3A_104 = arith.constant 6 : i32
    %dma_wait3A_105 = arith.constant 0 : i32
    %dma_wait3A_106 = tpu.memref_slice %arg5[%dma_wait3A_104, %dma_wait3A_105] : memref<20x80xi32, #tpu.memory_space<vmem>> -> memref<1x80xi32, #tpu.memory_space<vmem>>
    %dma_wait3A_107 = tpu.memref_squeeze %dma_wait3A_106 : memref<1x80xi32, #tpu.memory_space<vmem>> -> memref<80xi32, #tpu.memory_space<vmem>>
    %dma_wait3A_108 = arith.constant 0 : i32
    %dma_wait3A_109 = arith.constant 0 : i32
    %dma_wait3A_110 = tpu.memref_slice %arg2[%dma_wait3A_108, %dma_wait3A_109] : memref<100000x128xf32, #tpu.memory_space<hbm>> -> memref<100000x128xf32, #tpu.memory_space<hbm>>
    tpu.wait_indirect_dma semaphore(%arg8 : memref<!tpu.dma_semaphore, #tpu.memory_space<semaphore_mem>>) src(%dma_wait3A_110 : memref<100000x128xf32, #tpu.memory_space<hbm>>) dst(%arg6 : memref<80x128xf32, #tpu.memory_space<vmem>>)
    %dma_start3A_111 = arith.constant 7 : i32
    %dma_start3A_112 = arith.constant 0 : i32
    %dma_start3A_113 = tpu.memref_slice %arg5[%dma_start3A_111, %dma_start3A_112] : memref<20x80xi32, #tpu.memory_space<vmem>> -> memref<1x80xi32, #tpu.memory_space<vmem>>
    %dma_start3A_114 = tpu.memref_squeeze %dma_start3A_113 : memref<1x80xi32, #tpu.memory_space<vmem>> -> memref<80xi32, #tpu.memory_space<vmem>>
    %dma_start3A_115 = arith.constant 0 : i32
    %dma_start3A_116 = arith.constant 0 : i32
    %dma_start3A_117 = tpu.memref_slice %arg2[%dma_start3A_115, %dma_start3A_116] : memref<100000x128xf32, #tpu.memory_space<hbm>> -> memref<100000x128xf32, #tpu.memory_space<hbm>>
    tpu.enqueue_indirect_dma source(%dma_start3A_117 : memref<100000x128xf32, #tpu.memory_space<hbm>>) target(%arg7 : memref<80x128xf32, #tpu.memory_space<vmem>>) offsets(%dma_start3A_114 : memref<80xi32, #tpu.memory_space<vmem>>) semaphore(%arg9 : memref<!tpu.dma_semaphore, #tpu.memory_space<semaphore_mem>>)
    %add3A_118 = arith.constant 480 : i32
    %add3A_119 = arith.addi %mul3A_2, %add3A_118 : i32
    "tpu.region"() ({
      %run_scoped3A = tpu.sem_alloc : memref<!tpu.dma_semaphore, #tpu.memory_space<semaphore_mem>>
      %dma_start3A_321 = arith.constant 0 : i32
      %dma_start3A_322 = tpu.memref_slice %arg4[%add3A_119, %dma_start3A_321] : memref<51200x128xf32, #tpu.memory_space<hbm>> -> memref<80x128xf32, #tpu.memory_space<hbm>>
      %dma_start3A_323 = arith.constant 0 : i32
      %dma_start3A_324 = tpu.memref_slice %arg4[%add3A_119, %dma_start3A_323] : memref<51200x128xf32, #tpu.memory_space<hbm>> -> memref<80x128xf32, #tpu.memory_space<hbm>>
      tpu.enqueue_dma source(%arg6 : memref<80x128xf32, #tpu.memory_space<vmem>>) target(%dma_start3A_324 : memref<80x128xf32, #tpu.memory_space<hbm>>) target_semaphore(%run_scoped3A : memref<!tpu.dma_semaphore, #tpu.memory_space<semaphore_mem>>)
      %dma_wait3A_325 = arith.constant 0 : i32
      %dma_wait3A_326 = tpu.memref_slice %arg4[%add3A_119, %dma_wait3A_325] : memref<51200x128xf32, #tpu.memory_space<hbm>> -> memref<80x128xf32, #tpu.memory_space<hbm>>
      %dma_wait3A_327 = arith.constant 0 : i32
      %dma_wait3A_328 = tpu.memref_slice %arg4[%add3A_119, %dma_wait3A_327] : memref<51200x128xf32, #tpu.memory_space<hbm>> -> memref<80x128xf32, #tpu.memory_space<hbm>>
      tpu.wait_dma2 semaphore(%run_scoped3A : memref<!tpu.dma_semaphore, #tpu.memory_space<semaphore_mem>>) src(%arg6 : memref<80x128xf32, #tpu.memory_space<vmem>>) dst(%dma_wait3A_328 : memref<80x128xf32, #tpu.memory_space<hbm>>)
      tpu.yield
    }) : () -> ()
    %dma_wait3A_120 = arith.constant 7 : i32
    %dma_wait3A_121 = arith.constant 0 : i32
    %dma_wait3A_122 = tpu.memref_slice %arg5[%dma_wait3A_120, %dma_wait3A_121] : memref<20x80xi32, #tpu.memory_space<vmem>> -> memref<1x80xi32, #tpu.memory_space<vmem>>
    %dma_wait3A_123 = tpu.memref_squeeze %dma_wait3A_122 : memref<1x80xi32, #tpu.memory_space<vmem>> -> memref<80xi32, #tpu.memory_space<vmem>>
    %dma_wait3A_124 = arith.constant 0 : i32
    %dma_wait3A_125 = arith.constant 0 : i32
    %dma_wait3A_126 = tpu.memref_slice %arg2[%dma_wait3A_124, %dma_wait3A_125] : memref<100000x128xf32, #tpu.memory_space<hbm>> -> memref<100000x128xf32, #tpu.memory_space<hbm>>
    tpu.wait_indirect_dma semaphore(%arg9 : memref<!tpu.dma_semaphore, #tpu.memory_space<semaphore_mem>>) src(%dma_wait3A_126 : memref<100000x128xf32, #tpu.memory_space<hbm>>) dst(%arg7 : memref<80x128xf32, #tpu.memory_space<vmem>>)
    %dma_start3A_127 = arith.constant 8 : i32
    %dma_start3A_128 = arith.constant 0 : i32
    %dma_start3A_129 = tpu.memref_slice %arg5[%dma_start3A_127, %dma_start3A_128] : memref<20x80xi32, #tpu.memory_space<vmem>> -> memref<1x80xi32, #tpu.memory_space<vmem>>
    %dma_start3A_130 = tpu.memref_squeeze %dma_start3A_129 : memref<1x80xi32, #tpu.memory_space<vmem>> -> memref<80xi32, #tpu.memory_space<vmem>>
    %dma_start3A_131 = arith.constant 0 : i32
    %dma_start3A_132 = arith.constant 0 : i32
    %dma_start3A_133 = tpu.memref_slice %arg2[%dma_start3A_131, %dma_start3A_132] : memref<100000x128xf32, #tpu.memory_space<hbm>> -> memref<100000x128xf32, #tpu.memory_space<hbm>>
    tpu.enqueue_indirect_dma source(%dma_start3A_133 : memref<100000x128xf32, #tpu.memory_space<hbm>>) target(%arg6 : memref<80x128xf32, #tpu.memory_space<vmem>>) offsets(%dma_start3A_130 : memref<80xi32, #tpu.memory_space<vmem>>) semaphore(%arg8 : memref<!tpu.dma_semaphore, #tpu.memory_space<semaphore_mem>>)
    %add3A_134 = arith.constant 560 : i32
    %add3A_135 = arith.addi %mul3A_2, %add3A_134 : i32
    "tpu.region"() ({
      %run_scoped3A = tpu.sem_alloc : memref<!tpu.dma_semaphore, #tpu.memory_space<semaphore_mem>>
      %dma_start3A_321 = arith.constant 0 : i32
      %dma_start3A_322 = tpu.memref_slice %arg4[%add3A_135, %dma_start3A_321] : memref<51200x128xf32, #tpu.memory_space<hbm>> -> memref<80x128xf32, #tpu.memory_space<hbm>>
      %dma_start3A_323 = arith.constant 0 : i32
      %dma_start3A_324 = tpu.memref_slice %arg4[%add3A_135, %dma_start3A_323] : memref<51200x128xf32, #tpu.memory_space<hbm>> -> memref<80x128xf32, #tpu.memory_space<hbm>>
      tpu.enqueue_dma source(%arg7 : memref<80x128xf32, #tpu.memory_space<vmem>>) target(%dma_start3A_324 : memref<80x128xf32, #tpu.memory_space<hbm>>) target_semaphore(%run_scoped3A : memref<!tpu.dma_semaphore, #tpu.memory_space<semaphore_mem>>)
      %dma_wait3A_325 = arith.constant 0 : i32
      %dma_wait3A_326 = tpu.memref_slice %arg4[%add3A_135, %dma_wait3A_325] : memref<51200x128xf32, #tpu.memory_space<hbm>> -> memref<80x128xf32, #tpu.memory_space<hbm>>
      %dma_wait3A_327 = arith.constant 0 : i32
      %dma_wait3A_328 = tpu.memref_slice %arg4[%add3A_135, %dma_wait3A_327] : memref<51200x128xf32, #tpu.memory_space<hbm>> -> memref<80x128xf32, #tpu.memory_space<hbm>>
      tpu.wait_dma2 semaphore(%run_scoped3A : memref<!tpu.dma_semaphore, #tpu.memory_space<semaphore_mem>>) src(%arg7 : memref<80x128xf32, #tpu.memory_space<vmem>>) dst(%dma_wait3A_328 : memref<80x128xf32, #tpu.memory_space<hbm>>)
      tpu.yield
    }) : () -> ()
    %dma_wait3A_136 = arith.constant 8 : i32
    %dma_wait3A_137 = arith.constant 0 : i32
    %dma_wait3A_138 = tpu.memref_slice %arg5[%dma_wait3A_136, %dma_wait3A_137] : memref<20x80xi32, #tpu.memory_space<vmem>> -> memref<1x80xi32, #tpu.memory_space<vmem>>
    %dma_wait3A_139 = tpu.memref_squeeze %dma_wait3A_138 : memref<1x80xi32, #tpu.memory_space<vmem>> -> memref<80xi32, #tpu.memory_space<vmem>>
    %dma_wait3A_140 = arith.constant 0 : i32
    %dma_wait3A_141 = arith.constant 0 : i32
    %dma_wait3A_142 = tpu.memref_slice %arg2[%dma_wait3A_140, %dma_wait3A_141] : memref<100000x128xf32, #tpu.memory_space<hbm>> -> memref<100000x128xf32, #tpu.memory_space<hbm>>
    tpu.wait_indirect_dma semaphore(%arg8 : memref<!tpu.dma_semaphore, #tpu.memory_space<semaphore_mem>>) src(%dma_wait3A_142 : memref<100000x128xf32, #tpu.memory_space<hbm>>) dst(%arg6 : memref<80x128xf32, #tpu.memory_space<vmem>>)
    %dma_start3A_143 = arith.constant 9 : i32
    %dma_start3A_144 = arith.constant 0 : i32
    %dma_start3A_145 = tpu.memref_slice %arg5[%dma_start3A_143, %dma_start3A_144] : memref<20x80xi32, #tpu.memory_space<vmem>> -> memref<1x80xi32, #tpu.memory_space<vmem>>
    %dma_start3A_146 = tpu.memref_squeeze %dma_start3A_145 : memref<1x80xi32, #tpu.memory_space<vmem>> -> memref<80xi32, #tpu.memory_space<vmem>>
    %dma_start3A_147 = arith.constant 0 : i32
    %dma_start3A_148 = arith.constant 0 : i32
    %dma_start3A_149 = tpu.memref_slice %arg2[%dma_start3A_147, %dma_start3A_148] : memref<100000x128xf32, #tpu.memory_space<hbm>> -> memref<100000x128xf32, #tpu.memory_space<hbm>>
    tpu.enqueue_indirect_dma source(%dma_start3A_149 : memref<100000x128xf32, #tpu.memory_space<hbm>>) target(%arg7 : memref<80x128xf32, #tpu.memory_space<vmem>>) offsets(%dma_start3A_146 : memref<80xi32, #tpu.memory_space<vmem>>) semaphore(%arg9 : memref<!tpu.dma_semaphore, #tpu.memory_space<semaphore_mem>>)
    %add3A_150 = arith.constant 640 : i32
    %add3A_151 = arith.addi %mul3A_2, %add3A_150 : i32
    "tpu.region"() ({
      %run_scoped3A = tpu.sem_alloc : memref<!tpu.dma_semaphore, #tpu.memory_space<semaphore_mem>>
      %dma_start3A_321 = arith.constant 0 : i32
      %dma_start3A_322 = tpu.memref_slice %arg4[%add3A_151, %dma_start3A_321] : memref<51200x128xf32, #tpu.memory_space<hbm>> -> memref<80x128xf32, #tpu.memory_space<hbm>>
      %dma_start3A_323 = arith.constant 0 : i32
      %dma_start3A_324 = tpu.memref_slice %arg4[%add3A_151, %dma_start3A_323] : memref<51200x128xf32, #tpu.memory_space<hbm>> -> memref<80x128xf32, #tpu.memory_space<hbm>>
      tpu.enqueue_dma source(%arg6 : memref<80x128xf32, #tpu.memory_space<vmem>>) target(%dma_start3A_324 : memref<80x128xf32, #tpu.memory_space<hbm>>) target_semaphore(%run_scoped3A : memref<!tpu.dma_semaphore, #tpu.memory_space<semaphore_mem>>)
      %dma_wait3A_325 = arith.constant 0 : i32
      %dma_wait3A_326 = tpu.memref_slice %arg4[%add3A_151, %dma_wait3A_325] : memref<51200x128xf32, #tpu.memory_space<hbm>> -> memref<80x128xf32, #tpu.memory_space<hbm>>
      %dma_wait3A_327 = arith.constant 0 : i32
      %dma_wait3A_328 = tpu.memref_slice %arg4[%add3A_151, %dma_wait3A_327] : memref<51200x128xf32, #tpu.memory_space<hbm>> -> memref<80x128xf32, #tpu.memory_space<hbm>>
      tpu.wait_dma2 semaphore(%run_scoped3A : memref<!tpu.dma_semaphore, #tpu.memory_space<semaphore_mem>>) src(%arg6 : memref<80x128xf32, #tpu.memory_space<vmem>>) dst(%dma_wait3A_328 : memref<80x128xf32, #tpu.memory_space<hbm>>)
      tpu.yield
    }) : () -> ()
    %dma_wait3A_152 = arith.constant 9 : i32
    %dma_wait3A_153 = arith.constant 0 : i32
    %dma_wait3A_154 = tpu.memref_slice %arg5[%dma_wait3A_152, %dma_wait3A_153] : memref<20x80xi32, #tpu.memory_space<vmem>> -> memref<1x80xi32, #tpu.memory_space<vmem>>
    %dma_wait3A_155 = tpu.memref_squeeze %dma_wait3A_154 : memref<1x80xi32, #tpu.memory_space<vmem>> -> memref<80xi32, #tpu.memory_space<vmem>>
    %dma_wait3A_156 = arith.constant 0 : i32
    %dma_wait3A_157 = arith.constant 0 : i32
    %dma_wait3A_158 = tpu.memref_slice %arg2[%dma_wait3A_156, %dma_wait3A_157] : memref<100000x128xf32, #tpu.memory_space<hbm>> -> memref<100000x128xf32, #tpu.memory_space<hbm>>
    tpu.wait_indirect_dma semaphore(%arg9 : memref<!tpu.dma_semaphore, #tpu.memory_space<semaphore_mem>>) src(%dma_wait3A_158 : memref<100000x128xf32, #tpu.memory_space<hbm>>) dst(%arg7 : memref<80x128xf32, #tpu.memory_space<vmem>>)
    %dma_start3A_159 = arith.constant 10 : i32
    %dma_start3A_160 = arith.constant 0 : i32
    %dma_start3A_161 = tpu.memref_slice %arg5[%dma_start3A_159, %dma_start3A_160] : memref<20x80xi32, #tpu.memory_space<vmem>> -> memref<1x80xi32, #tpu.memory_space<vmem>>
    %dma_start3A_162 = tpu.memref_squeeze %dma_start3A_161 : memref<1x80xi32, #tpu.memory_space<vmem>> -> memref<80xi32, #tpu.memory_space<vmem>>
    %dma_start3A_163 = arith.constant 0 : i32
    %dma_start3A_164 = arith.constant 0 : i32
    %dma_start3A_165 = tpu.memref_slice %arg2[%dma_start3A_163, %dma_start3A_164] : memref<100000x128xf32, #tpu.memory_space<hbm>> -> memref<100000x128xf32, #tpu.memory_space<hbm>>
    tpu.enqueue_indirect_dma source(%dma_start3A_165 : memref<100000x128xf32, #tpu.memory_space<hbm>>) target(%arg6 : memref<80x128xf32, #tpu.memory_space<vmem>>) offsets(%dma_start3A_162 : memref<80xi32, #tpu.memory_space<vmem>>) semaphore(%arg8 : memref<!tpu.dma_semaphore, #tpu.memory_space<semaphore_mem>>)
    %add3A_166 = arith.constant 720 : i32
    %add3A_167 = arith.addi %mul3A_2, %add3A_166 : i32
    "tpu.region"() ({
      %run_scoped3A = tpu.sem_alloc : memref<!tpu.dma_semaphore, #tpu.memory_space<semaphore_mem>>
      %dma_start3A_321 = arith.constant 0 : i32
      %dma_start3A_322 = tpu.memref_slice %arg4[%add3A_167, %dma_start3A_321] : memref<51200x128xf32, #tpu.memory_space<hbm>> -> memref<80x128xf32, #tpu.memory_space<hbm>>
      %dma_start3A_323 = arith.constant 0 : i32
      %dma_start3A_324 = tpu.memref_slice %arg4[%add3A_167, %dma_start3A_323] : memref<51200x128xf32, #tpu.memory_space<hbm>> -> memref<80x128xf32, #tpu.memory_space<hbm>>
      tpu.enqueue_dma source(%arg7 : memref<80x128xf32, #tpu.memory_space<vmem>>) target(%dma_start3A_324 : memref<80x128xf32, #tpu.memory_space<hbm>>) target_semaphore(%run_scoped3A : memref<!tpu.dma_semaphore, #tpu.memory_space<semaphore_mem>>)
      %dma_wait3A_325 = arith.constant 0 : i32
      %dma_wait3A_326 = tpu.memref_slice %arg4[%add3A_167, %dma_wait3A_325] : memref<51200x128xf32, #tpu.memory_space<hbm>> -> memref<80x128xf32, #tpu.memory_space<hbm>>
      %dma_wait3A_327 = arith.constant 0 : i32
      %dma_wait3A_328 = tpu.memref_slice %arg4[%add3A_167, %dma_wait3A_327] : memref<51200x128xf32, #tpu.memory_space<hbm>> -> memref<80x128xf32, #tpu.memory_space<hbm>>
      tpu.wait_dma2 semaphore(%run_scoped3A : memref<!tpu.dma_semaphore, #tpu.memory_space<semaphore_mem>>) src(%arg7 : memref<80x128xf32, #tpu.memory_space<vmem>>) dst(%dma_wait3A_328 : memref<80x128xf32, #tpu.memory_space<hbm>>)
      tpu.yield
    }) : () -> ()
    %dma_wait3A_168 = arith.constant 10 : i32
    %dma_wait3A_169 = arith.constant 0 : i32
    %dma_wait3A_170 = tpu.memref_slice %arg5[%dma_wait3A_168, %dma_wait3A_169] : memref<20x80xi32, #tpu.memory_space<vmem>> -> memref<1x80xi32, #tpu.memory_space<vmem>>
    %dma_wait3A_171 = tpu.memref_squeeze %dma_wait3A_170 : memref<1x80xi32, #tpu.memory_space<vmem>> -> memref<80xi32, #tpu.memory_space<vmem>>
    %dma_wait3A_172 = arith.constant 0 : i32
    %dma_wait3A_173 = arith.constant 0 : i32
    %dma_wait3A_174 = tpu.memref_slice %arg2[%dma_wait3A_172, %dma_wait3A_173] : memref<100000x128xf32, #tpu.memory_space<hbm>> -> memref<100000x128xf32, #tpu.memory_space<hbm>>
    tpu.wait_indirect_dma semaphore(%arg8 : memref<!tpu.dma_semaphore, #tpu.memory_space<semaphore_mem>>) src(%dma_wait3A_174 : memref<100000x128xf32, #tpu.memory_space<hbm>>) dst(%arg6 : memref<80x128xf32, #tpu.memory_space<vmem>>)
    %dma_start3A_175 = arith.constant 11 : i32
    %dma_start3A_176 = arith.constant 0 : i32
    %dma_start3A_177 = tpu.memref_slice %arg5[%dma_start3A_175, %dma_start3A_176] : memref<20x80xi32, #tpu.memory_space<vmem>> -> memref<1x80xi32, #tpu.memory_space<vmem>>
    %dma_start3A_178 = tpu.memref_squeeze %dma_start3A_177 : memref<1x80xi32, #tpu.memory_space<vmem>> -> memref<80xi32, #tpu.memory_space<vmem>>
    %dma_start3A_179 = arith.constant 0 : i32
    %dma_start3A_180 = arith.constant 0 : i32
    %dma_start3A_181 = tpu.memref_slice %arg2[%dma_start3A_179, %dma_start3A_180] : memref<100000x128xf32, #tpu.memory_space<hbm>> -> memref<100000x128xf32, #tpu.memory_space<hbm>>
    tpu.enqueue_indirect_dma source(%dma_start3A_181 : memref<100000x128xf32, #tpu.memory_space<hbm>>) target(%arg7 : memref<80x128xf32, #tpu.memory_space<vmem>>) offsets(%dma_start3A_178 : memref<80xi32, #tpu.memory_space<vmem>>) semaphore(%arg9 : memref<!tpu.dma_semaphore, #tpu.memory_space<semaphore_mem>>)
    %add3A_182 = arith.constant 800 : i32
    %add3A_183 = arith.addi %mul3A_2, %add3A_182 : i32
    "tpu.region"() ({
      %run_scoped3A = tpu.sem_alloc : memref<!tpu.dma_semaphore, #tpu.memory_space<semaphore_mem>>
      %dma_start3A_321 = arith.constant 0 : i32
      %dma_start3A_322 = tpu.memref_slice %arg4[%add3A_183, %dma_start3A_321] : memref<51200x128xf32, #tpu.memory_space<hbm>> -> memref<80x128xf32, #tpu.memory_space<hbm>>
      %dma_start3A_323 = arith.constant 0 : i32
      %dma_start3A_324 = tpu.memref_slice %arg4[%add3A_183, %dma_start3A_323] : memref<51200x128xf32, #tpu.memory_space<hbm>> -> memref<80x128xf32, #tpu.memory_space<hbm>>
      tpu.enqueue_dma source(%arg6 : memref<80x128xf32, #tpu.memory_space<vmem>>) target(%dma_start3A_324 : memref<80x128xf32, #tpu.memory_space<hbm>>) target_semaphore(%run_scoped3A : memref<!tpu.dma_semaphore, #tpu.memory_space<semaphore_mem>>)
      %dma_wait3A_325 = arith.constant 0 : i32
      %dma_wait3A_326 = tpu.memref_slice %arg4[%add3A_183, %dma_wait3A_325] : memref<51200x128xf32, #tpu.memory_space<hbm>> -> memref<80x128xf32, #tpu.memory_space<hbm>>
      %dma_wait3A_327 = arith.constant 0 : i32
      %dma_wait3A_328 = tpu.memref_slice %arg4[%add3A_183, %dma_wait3A_327] : memref<51200x128xf32, #tpu.memory_space<hbm>> -> memref<80x128xf32, #tpu.memory_space<hbm>>
      tpu.wait_dma2 semaphore(%run_scoped3A : memref<!tpu.dma_semaphore, #tpu.memory_space<semaphore_mem>>) src(%arg6 : memref<80x128xf32, #tpu.memory_space<vmem>>) dst(%dma_wait3A_328 : memref<80x128xf32, #tpu.memory_space<hbm>>)
      tpu.yield
    }) : () -> ()
    %dma_wait3A_184 = arith.constant 11 : i32
    %dma_wait3A_185 = arith.constant 0 : i32
    %dma_wait3A_186 = tpu.memref_slice %arg5[%dma_wait3A_184, %dma_wait3A_185] : memref<20x80xi32, #tpu.memory_space<vmem>> -> memref<1x80xi32, #tpu.memory_space<vmem>>
    %dma_wait3A_187 = tpu.memref_squeeze %dma_wait3A_186 : memref<1x80xi32, #tpu.memory_space<vmem>> -> memref<80xi32, #tpu.memory_space<vmem>>
    %dma_wait3A_188 = arith.constant 0 : i32
    %dma_wait3A_189 = arith.constant 0 : i32
    %dma_wait3A_190 = tpu.memref_slice %arg2[%dma_wait3A_188, %dma_wait3A_189] : memref<100000x128xf32, #tpu.memory_space<hbm>> -> memref<100000x128xf32, #tpu.memory_space<hbm>>
    tpu.wait_indirect_dma semaphore(%arg9 : memref<!tpu.dma_semaphore, #tpu.memory_space<semaphore_mem>>) src(%dma_wait3A_190 : memref<100000x128xf32, #tpu.memory_space<hbm>>) dst(%arg7 : memref<80x128xf32, #tpu.memory_space<vmem>>)
    %dma_start3A_191 = arith.constant 12 : i32
    %dma_start3A_192 = arith.constant 0 : i32
    %dma_start3A_193 = tpu.memref_slice %arg5[%dma_start3A_191, %dma_start3A_192] : memref<20x80xi32, #tpu.memory_space<vmem>> -> memref<1x80xi32, #tpu.memory_space<vmem>>
    %dma_start3A_194 = tpu.memref_squeeze %dma_start3A_193 : memref<1x80xi32, #tpu.memory_space<vmem>> -> memref<80xi32, #tpu.memory_space<vmem>>
    %dma_start3A_195 = arith.constant 0 : i32
    %dma_start3A_196 = arith.constant 0 : i32
    %dma_start3A_197 = tpu.memref_slice %arg2[%dma_start3A_195, %dma_start3A_196] : memref<100000x128xf32, #tpu.memory_space<hbm>> -> memref<100000x128xf32, #tpu.memory_space<hbm>>
    tpu.enqueue_indirect_dma source(%dma_start3A_197 : memref<100000x128xf32, #tpu.memory_space<hbm>>) target(%arg6 : memref<80x128xf32, #tpu.memory_space<vmem>>) offsets(%dma_start3A_194 : memref<80xi32, #tpu.memory_space<vmem>>) semaphore(%arg8 : memref<!tpu.dma_semaphore, #tpu.memory_space<semaphore_mem>>)
    %add3A_198 = arith.constant 880 : i32
    %add3A_199 = arith.addi %mul3A_2, %add3A_198 : i32
    "tpu.region"() ({
      %run_scoped3A = tpu.sem_alloc : memref<!tpu.dma_semaphore, #tpu.memory_space<semaphore_mem>>
      %dma_start3A_321 = arith.constant 0 : i32
      %dma_start3A_322 = tpu.memref_slice %arg4[%add3A_199, %dma_start3A_321] : memref<51200x128xf32, #tpu.memory_space<hbm>> -> memref<80x128xf32, #tpu.memory_space<hbm>>
      %dma_start3A_323 = arith.constant 0 : i32
      %dma_start3A_324 = tpu.memref_slice %arg4[%add3A_199, %dma_start3A_323] : memref<51200x128xf32, #tpu.memory_space<hbm>> -> memref<80x128xf32, #tpu.memory_space<hbm>>
      tpu.enqueue_dma source(%arg7 : memref<80x128xf32, #tpu.memory_space<vmem>>) target(%dma_start3A_324 : memref<80x128xf32, #tpu.memory_space<hbm>>) target_semaphore(%run_scoped3A : memref<!tpu.dma_semaphore, #tpu.memory_space<semaphore_mem>>)
      %dma_wait3A_325 = arith.constant 0 : i32
      %dma_wait3A_326 = tpu.memref_slice %arg4[%add3A_199, %dma_wait3A_325] : memref<51200x128xf32, #tpu.memory_space<hbm>> -> memref<80x128xf32, #tpu.memory_space<hbm>>
      %dma_wait3A_327 = arith.constant 0 : i32
      %dma_wait3A_328 = tpu.memref_slice %arg4[%add3A_199, %dma_wait3A_327] : memref<51200x128xf32, #tpu.memory_space<hbm>> -> memref<80x128xf32, #tpu.memory_space<hbm>>
      tpu.wait_dma2 semaphore(%run_scoped3A : memref<!tpu.dma_semaphore, #tpu.memory_space<semaphore_mem>>) src(%arg7 : memref<80x128xf32, #tpu.memory_space<vmem>>) dst(%dma_wait3A_328 : memref<80x128xf32, #tpu.memory_space<hbm>>)
      tpu.yield
    }) : () -> ()
    %dma_wait3A_200 = arith.constant 12 : i32
    %dma_wait3A_201 = arith.constant 0 : i32
    %dma_wait3A_202 = tpu.memref_slice %arg5[%dma_wait3A_200, %dma_wait3A_201] : memref<20x80xi32, #tpu.memory_space<vmem>> -> memref<1x80xi32, #tpu.memory_space<vmem>>
    %dma_wait3A_203 = tpu.memref_squeeze %dma_wait3A_202 : memref<1x80xi32, #tpu.memory_space<vmem>> -> memref<80xi32, #tpu.memory_space<vmem>>
    %dma_wait3A_204 = arith.constant 0 : i32
    %dma_wait3A_205 = arith.constant 0 : i32
    %dma_wait3A_206 = tpu.memref_slice %arg2[%dma_wait3A_204, %dma_wait3A_205] : memref<100000x128xf32, #tpu.memory_space<hbm>> -> memref<100000x128xf32, #tpu.memory_space<hbm>>
    tpu.wait_indirect_dma semaphore(%arg8 : memref<!tpu.dma_semaphore, #tpu.memory_space<semaphore_mem>>) src(%dma_wait3A_206 : memref<100000x128xf32, #tpu.memory_space<hbm>>) dst(%arg6 : memref<80x128xf32, #tpu.memory_space<vmem>>)
    %dma_start3A_207 = arith.constant 13 : i32
    %dma_start3A_208 = arith.constant 0 : i32
    %dma_start3A_209 = tpu.memref_slice %arg5[%dma_start3A_207, %dma_start3A_208] : memref<20x80xi32, #tpu.memory_space<vmem>> -> memref<1x80xi32, #tpu.memory_space<vmem>>
    %dma_start3A_210 = tpu.memref_squeeze %dma_start3A_209 : memref<1x80xi32, #tpu.memory_space<vmem>> -> memref<80xi32, #tpu.memory_space<vmem>>
    %dma_start3A_211 = arith.constant 0 : i32
    %dma_start3A_212 = arith.constant 0 : i32
    %dma_start3A_213 = tpu.memref_slice %arg2[%dma_start3A_211, %dma_start3A_212] : memref<100000x128xf32, #tpu.memory_space<hbm>> -> memref<100000x128xf32, #tpu.memory_space<hbm>>
    tpu.enqueue_indirect_dma source(%dma_start3A_213 : memref<100000x128xf32, #tpu.memory_space<hbm>>) target(%arg7 : memref<80x128xf32, #tpu.memory_space<vmem>>) offsets(%dma_start3A_210 : memref<80xi32, #tpu.memory_space<vmem>>) semaphore(%arg9 : memref<!tpu.dma_semaphore, #tpu.memory_space<semaphore_mem>>)
    %add3A_214 = arith.constant 960 : i32
    %add3A_215 = arith.addi %mul3A_2, %add3A_214 : i32
    "tpu.region"() ({
      %run_scoped3A = tpu.sem_alloc : memref<!tpu.dma_semaphore, #tpu.memory_space<semaphore_mem>>
      %dma_start3A_321 = arith.constant 0 : i32
      %dma_start3A_322 = tpu.memref_slice %arg4[%add3A_215, %dma_start3A_321] : memref<51200x128xf32, #tpu.memory_space<hbm>> -> memref<80x128xf32, #tpu.memory_space<hbm>>
      %dma_start3A_323 = arith.constant 0 : i32
      %dma_start3A_324 = tpu.memref_slice %arg4[%add3A_215, %dma_start3A_323] : memref<51200x128xf32, #tpu.memory_space<hbm>> -> memref<80x128xf32, #tpu.memory_space<hbm>>
      tpu.enqueue_dma source(%arg6 : memref<80x128xf32, #tpu.memory_space<vmem>>) target(%dma_start3A_324 : memref<80x128xf32, #tpu.memory_space<hbm>>) target_semaphore(%run_scoped3A : memref<!tpu.dma_semaphore, #tpu.memory_space<semaphore_mem>>)
      %dma_wait3A_325 = arith.constant 0 : i32
      %dma_wait3A_326 = tpu.memref_slice %arg4[%add3A_215, %dma_wait3A_325] : memref<51200x128xf32, #tpu.memory_space<hbm>> -> memref<80x128xf32, #tpu.memory_space<hbm>>
      %dma_wait3A_327 = arith.constant 0 : i32
      %dma_wait3A_328 = tpu.memref_slice %arg4[%add3A_215, %dma_wait3A_327] : memref<51200x128xf32, #tpu.memory_space<hbm>> -> memref<80x128xf32, #tpu.memory_space<hbm>>
      tpu.wait_dma2 semaphore(%run_scoped3A : memref<!tpu.dma_semaphore, #tpu.memory_space<semaphore_mem>>) src(%arg6 : memref<80x128xf32, #tpu.memory_space<vmem>>) dst(%dma_wait3A_328 : memref<80x128xf32, #tpu.memory_space<hbm>>)
      tpu.yield
    }) : () -> ()
    %dma_wait3A_216 = arith.constant 13 : i32
    %dma_wait3A_217 = arith.constant 0 : i32
    %dma_wait3A_218 = tpu.memref_slice %arg5[%dma_wait3A_216, %dma_wait3A_217] : memref<20x80xi32, #tpu.memory_space<vmem>> -> memref<1x80xi32, #tpu.memory_space<vmem>>
    %dma_wait3A_219 = tpu.memref_squeeze %dma_wait3A_218 : memref<1x80xi32, #tpu.memory_space<vmem>> -> memref<80xi32, #tpu.memory_space<vmem>>
    %dma_wait3A_220 = arith.constant 0 : i32
    %dma_wait3A_221 = arith.constant 0 : i32
    %dma_wait3A_222 = tpu.memref_slice %arg2[%dma_wait3A_220, %dma_wait3A_221] : memref<100000x128xf32, #tpu.memory_space<hbm>> -> memref<100000x128xf32, #tpu.memory_space<hbm>>
    tpu.wait_indirect_dma semaphore(%arg9 : memref<!tpu.dma_semaphore, #tpu.memory_space<semaphore_mem>>) src(%dma_wait3A_222 : memref<100000x128xf32, #tpu.memory_space<hbm>>) dst(%arg7 : memref<80x128xf32, #tpu.memory_space<vmem>>)
    %dma_start3A_223 = arith.constant 14 : i32
    %dma_start3A_224 = arith.constant 0 : i32
    %dma_start3A_225 = tpu.memref_slice %arg5[%dma_start3A_223, %dma_start3A_224] : memref<20x80xi32, #tpu.memory_space<vmem>> -> memref<1x80xi32, #tpu.memory_space<vmem>>
    %dma_start3A_226 = tpu.memref_squeeze %dma_start3A_225 : memref<1x80xi32, #tpu.memory_space<vmem>> -> memref<80xi32, #tpu.memory_space<vmem>>
    %dma_start3A_227 = arith.constant 0 : i32
    %dma_start3A_228 = arith.constant 0 : i32
    %dma_start3A_229 = tpu.memref_slice %arg2[%dma_start3A_227, %dma_start3A_228] : memref<100000x128xf32, #tpu.memory_space<hbm>> -> memref<100000x128xf32, #tpu.memory_space<hbm>>
    tpu.enqueue_indirect_dma source(%dma_start3A_229 : memref<100000x128xf32, #tpu.memory_space<hbm>>) target(%arg6 : memref<80x128xf32, #tpu.memory_space<vmem>>) offsets(%dma_start3A_226 : memref<80xi32, #tpu.memory_space<vmem>>) semaphore(%arg8 : memref<!tpu.dma_semaphore, #tpu.memory_space<semaphore_mem>>)
    %add3A_230 = arith.constant 1040 : i32
    %add3A_231 = arith.addi %mul3A_2, %add3A_230 : i32
    "tpu.region"() ({
      %run_scoped3A = tpu.sem_alloc : memref<!tpu.dma_semaphore, #tpu.memory_space<semaphore_mem>>
      %dma_start3A_321 = arith.constant 0 : i32
      %dma_start3A_322 = tpu.memref_slice %arg4[%add3A_231, %dma_start3A_321] : memref<51200x128xf32, #tpu.memory_space<hbm>> -> memref<80x128xf32, #tpu.memory_space<hbm>>
      %dma_start3A_323 = arith.constant 0 : i32
      %dma_start3A_324 = tpu.memref_slice %arg4[%add3A_231, %dma_start3A_323] : memref<51200x128xf32, #tpu.memory_space<hbm>> -> memref<80x128xf32, #tpu.memory_space<hbm>>
      tpu.enqueue_dma source(%arg7 : memref<80x128xf32, #tpu.memory_space<vmem>>) target(%dma_start3A_324 : memref<80x128xf32, #tpu.memory_space<hbm>>) target_semaphore(%run_scoped3A : memref<!tpu.dma_semaphore, #tpu.memory_space<semaphore_mem>>)
      %dma_wait3A_325 = arith.constant 0 : i32
      %dma_wait3A_326 = tpu.memref_slice %arg4[%add3A_231, %dma_wait3A_325] : memref<51200x128xf32, #tpu.memory_space<hbm>> -> memref<80x128xf32, #tpu.memory_space<hbm>>
      %dma_wait3A_327 = arith.constant 0 : i32
      %dma_wait3A_328 = tpu.memref_slice %arg4[%add3A_231, %dma_wait3A_327] : memref<51200x128xf32, #tpu.memory_space<hbm>> -> memref<80x128xf32, #tpu.memory_space<hbm>>
      tpu.wait_dma2 semaphore(%run_scoped3A : memref<!tpu.dma_semaphore, #tpu.memory_space<semaphore_mem>>) src(%arg7 : memref<80x128xf32, #tpu.memory_space<vmem>>) dst(%dma_wait3A_328 : memref<80x128xf32, #tpu.memory_space<hbm>>)
      tpu.yield
    }) : () -> ()
    %dma_wait3A_232 = arith.constant 14 : i32
    %dma_wait3A_233 = arith.constant 0 : i32
    %dma_wait3A_234 = tpu.memref_slice %arg5[%dma_wait3A_232, %dma_wait3A_233] : memref<20x80xi32, #tpu.memory_space<vmem>> -> memref<1x80xi32, #tpu.memory_space<vmem>>
    %dma_wait3A_235 = tpu.memref_squeeze %dma_wait3A_234 : memref<1x80xi32, #tpu.memory_space<vmem>> -> memref<80xi32, #tpu.memory_space<vmem>>
    %dma_wait3A_236 = arith.constant 0 : i32
    %dma_wait3A_237 = arith.constant 0 : i32
    %dma_wait3A_238 = tpu.memref_slice %arg2[%dma_wait3A_236, %dma_wait3A_237] : memref<100000x128xf32, #tpu.memory_space<hbm>> -> memref<100000x128xf32, #tpu.memory_space<hbm>>
    tpu.wait_indirect_dma semaphore(%arg8 : memref<!tpu.dma_semaphore, #tpu.memory_space<semaphore_mem>>) src(%dma_wait3A_238 : memref<100000x128xf32, #tpu.memory_space<hbm>>) dst(%arg6 : memref<80x128xf32, #tpu.memory_space<vmem>>)
    %dma_start3A_239 = arith.constant 15 : i32
    %dma_start3A_240 = arith.constant 0 : i32
    %dma_start3A_241 = tpu.memref_slice %arg5[%dma_start3A_239, %dma_start3A_240] : memref<20x80xi32, #tpu.memory_space<vmem>> -> memref<1x80xi32, #tpu.memory_space<vmem>>
    %dma_start3A_242 = tpu.memref_squeeze %dma_start3A_241 : memref<1x80xi32, #tpu.memory_space<vmem>> -> memref<80xi32, #tpu.memory_space<vmem>>
    %dma_start3A_243 = arith.constant 0 : i32
    %dma_start3A_244 = arith.constant 0 : i32
    %dma_start3A_245 = tpu.memref_slice %arg2[%dma_start3A_243, %dma_start3A_244] : memref<100000x128xf32, #tpu.memory_space<hbm>> -> memref<100000x128xf32, #tpu.memory_space<hbm>>
    tpu.enqueue_indirect_dma source(%dma_start3A_245 : memref<100000x128xf32, #tpu.memory_space<hbm>>) target(%arg7 : memref<80x128xf32, #tpu.memory_space<vmem>>) offsets(%dma_start3A_242 : memref<80xi32, #tpu.memory_space<vmem>>) semaphore(%arg9 : memref<!tpu.dma_semaphore, #tpu.memory_space<semaphore_mem>>)
    %add3A_246 = arith.constant 1120 : i32
    %add3A_247 = arith.addi %mul3A_2, %add3A_246 : i32
    "tpu.region"() ({
      %run_scoped3A = tpu.sem_alloc : memref<!tpu.dma_semaphore, #tpu.memory_space<semaphore_mem>>
      %dma_start3A_321 = arith.constant 0 : i32
      %dma_start3A_322 = tpu.memref_slice %arg4[%add3A_247, %dma_start3A_321] : memref<51200x128xf32, #tpu.memory_space<hbm>> -> memref<80x128xf32, #tpu.memory_space<hbm>>
      %dma_start3A_323 = arith.constant 0 : i32
      %dma_start3A_324 = tpu.memref_slice %arg4[%add3A_247, %dma_start3A_323] : memref<51200x128xf32, #tpu.memory_space<hbm>> -> memref<80x128xf32, #tpu.memory_space<hbm>>
      tpu.enqueue_dma source(%arg6 : memref<80x128xf32, #tpu.memory_space<vmem>>) target(%dma_start3A_324 : memref<80x128xf32, #tpu.memory_space<hbm>>) target_semaphore(%run_scoped3A : memref<!tpu.dma_semaphore, #tpu.memory_space<semaphore_mem>>)
      %dma_wait3A_325 = arith.constant 0 : i32
      %dma_wait3A_326 = tpu.memref_slice %arg4[%add3A_247, %dma_wait3A_325] : memref<51200x128xf32, #tpu.memory_space<hbm>> -> memref<80x128xf32, #tpu.memory_space<hbm>>
      %dma_wait3A_327 = arith.constant 0 : i32
      %dma_wait3A_328 = tpu.memref_slice %arg4[%add3A_247, %dma_wait3A_327] : memref<51200x128xf32, #tpu.memory_space<hbm>> -> memref<80x128xf32, #tpu.memory_space<hbm>>
      tpu.wait_dma2 semaphore(%run_scoped3A : memref<!tpu.dma_semaphore, #tpu.memory_space<semaphore_mem>>) src(%arg6 : memref<80x128xf32, #tpu.memory_space<vmem>>) dst(%dma_wait3A_328 : memref<80x128xf32, #tpu.memory_space<hbm>>)
      tpu.yield
    }) : () -> ()
    %dma_wait3A_248 = arith.constant 15 : i32
    %dma_wait3A_249 = arith.constant 0 : i32
    %dma_wait3A_250 = tpu.memref_slice %arg5[%dma_wait3A_248, %dma_wait3A_249] : memref<20x80xi32, #tpu.memory_space<vmem>> -> memref<1x80xi32, #tpu.memory_space<vmem>>
    %dma_wait3A_251 = tpu.memref_squeeze %dma_wait3A_250 : memref<1x80xi32, #tpu.memory_space<vmem>> -> memref<80xi32, #tpu.memory_space<vmem>>
    %dma_wait3A_252 = arith.constant 0 : i32
    %dma_wait3A_253 = arith.constant 0 : i32
    %dma_wait3A_254 = tpu.memref_slice %arg2[%dma_wait3A_252, %dma_wait3A_253] : memref<100000x128xf32, #tpu.memory_space<hbm>> -> memref<100000x128xf32, #tpu.memory_space<hbm>>
    tpu.wait_indirect_dma semaphore(%arg9 : memref<!tpu.dma_semaphore, #tpu.memory_space<semaphore_mem>>) src(%dma_wait3A_254 : memref<100000x128xf32, #tpu.memory_space<hbm>>) dst(%arg7 : memref<80x128xf32, #tpu.memory_space<vmem>>)
    %dma_start3A_255 = arith.constant 16 : i32
    %dma_start3A_256 = arith.constant 0 : i32
    %dma_start3A_257 = tpu.memref_slice %arg5[%dma_start3A_255, %dma_start3A_256] : memref<20x80xi32, #tpu.memory_space<vmem>> -> memref<1x80xi32, #tpu.memory_space<vmem>>
    %dma_start3A_258 = tpu.memref_squeeze %dma_start3A_257 : memref<1x80xi32, #tpu.memory_space<vmem>> -> memref<80xi32, #tpu.memory_space<vmem>>
    %dma_start3A_259 = arith.constant 0 : i32
    %dma_start3A_260 = arith.constant 0 : i32
    %dma_start3A_261 = tpu.memref_slice %arg2[%dma_start3A_259, %dma_start3A_260] : memref<100000x128xf32, #tpu.memory_space<hbm>> -> memref<100000x128xf32, #tpu.memory_space<hbm>>
    tpu.enqueue_indirect_dma source(%dma_start3A_261 : memref<100000x128xf32, #tpu.memory_space<hbm>>) target(%arg6 : memref<80x128xf32, #tpu.memory_space<vmem>>) offsets(%dma_start3A_258 : memref<80xi32, #tpu.memory_space<vmem>>) semaphore(%arg8 : memref<!tpu.dma_semaphore, #tpu.memory_space<semaphore_mem>>)
    %add3A_262 = arith.constant 1200 : i32
    %add3A_263 = arith.addi %mul3A_2, %add3A_262 : i32
    "tpu.region"() ({
      %run_scoped3A = tpu.sem_alloc : memref<!tpu.dma_semaphore, #tpu.memory_space<semaphore_mem>>
      %dma_start3A_321 = arith.constant 0 : i32
      %dma_start3A_322 = tpu.memref_slice %arg4[%add3A_263, %dma_start3A_321] : memref<51200x128xf32, #tpu.memory_space<hbm>> -> memref<80x128xf32, #tpu.memory_space<hbm>>
      %dma_start3A_323 = arith.constant 0 : i32
      %dma_start3A_324 = tpu.memref_slice %arg4[%add3A_263, %dma_start3A_323] : memref<51200x128xf32, #tpu.memory_space<hbm>> -> memref<80x128xf32, #tpu.memory_space<hbm>>
      tpu.enqueue_dma source(%arg7 : memref<80x128xf32, #tpu.memory_space<vmem>>) target(%dma_start3A_324 : memref<80x128xf32, #tpu.memory_space<hbm>>) target_semaphore(%run_scoped3A : memref<!tpu.dma_semaphore, #tpu.memory_space<semaphore_mem>>)
      %dma_wait3A_325 = arith.constant 0 : i32
      %dma_wait3A_326 = tpu.memref_slice %arg4[%add3A_263, %dma_wait3A_325] : memref<51200x128xf32, #tpu.memory_space<hbm>> -> memref<80x128xf32, #tpu.memory_space<hbm>>
      %dma_wait3A_327 = arith.constant 0 : i32
      %dma_wait3A_328 = tpu.memref_slice %arg4[%add3A_263, %dma_wait3A_327] : memref<51200x128xf32, #tpu.memory_space<hbm>> -> memref<80x128xf32, #tpu.memory_space<hbm>>
      tpu.wait_dma2 semaphore(%run_scoped3A : memref<!tpu.dma_semaphore, #tpu.memory_space<semaphore_mem>>) src(%arg7 : memref<80x128xf32, #tpu.memory_space<vmem>>) dst(%dma_wait3A_328 : memref<80x128xf32, #tpu.memory_space<hbm>>)
      tpu.yield
    }) : () -> ()
    %dma_wait3A_264 = arith.constant 16 : i32
    %dma_wait3A_265 = arith.constant 0 : i32
    %dma_wait3A_266 = tpu.memref_slice %arg5[%dma_wait3A_264, %dma_wait3A_265] : memref<20x80xi32, #tpu.memory_space<vmem>> -> memref<1x80xi32, #tpu.memory_space<vmem>>
    %dma_wait3A_267 = tpu.memref_squeeze %dma_wait3A_266 : memref<1x80xi32, #tpu.memory_space<vmem>> -> memref<80xi32, #tpu.memory_space<vmem>>
    %dma_wait3A_268 = arith.constant 0 : i32
    %dma_wait3A_269 = arith.constant 0 : i32
    %dma_wait3A_270 = tpu.memref_slice %arg2[%dma_wait3A_268, %dma_wait3A_269] : memref<100000x128xf32, #tpu.memory_space<hbm>> -> memref<100000x128xf32, #tpu.memory_space<hbm>>
    tpu.wait_indirect_dma semaphore(%arg8 : memref<!tpu.dma_semaphore, #tpu.memory_space<semaphore_mem>>) src(%dma_wait3A_270 : memref<100000x128xf32, #tpu.memory_space<hbm>>) dst(%arg6 : memref<80x128xf32, #tpu.memory_space<vmem>>)
    %dma_start3A_271 = arith.constant 17 : i32
    %dma_start3A_272 = arith.constant 0 : i32
    %dma_start3A_273 = tpu.memref_slice %arg5[%dma_start3A_271, %dma_start3A_272] : memref<20x80xi32, #tpu.memory_space<vmem>> -> memref<1x80xi32, #tpu.memory_space<vmem>>
    %dma_start3A_274 = tpu.memref_squeeze %dma_start3A_273 : memref<1x80xi32, #tpu.memory_space<vmem>> -> memref<80xi32, #tpu.memory_space<vmem>>
    %dma_start3A_275 = arith.constant 0 : i32
    %dma_start3A_276 = arith.constant 0 : i32
    %dma_start3A_277 = tpu.memref_slice %arg2[%dma_start3A_275, %dma_start3A_276] : memref<100000x128xf32, #tpu.memory_space<hbm>> -> memref<100000x128xf32, #tpu.memory_space<hbm>>
    tpu.enqueue_indirect_dma source(%dma_start3A_277 : memref<100000x128xf32, #tpu.memory_space<hbm>>) target(%arg7 : memref<80x128xf32, #tpu.memory_space<vmem>>) offsets(%dma_start3A_274 : memref<80xi32, #tpu.memory_space<vmem>>) semaphore(%arg9 : memref<!tpu.dma_semaphore, #tpu.memory_space<semaphore_mem>>)
    %add3A_278 = arith.constant 1280 : i32
    %add3A_279 = arith.addi %mul3A_2, %add3A_278 : i32
    "tpu.region"() ({
      %run_scoped3A = tpu.sem_alloc : memref<!tpu.dma_semaphore, #tpu.memory_space<semaphore_mem>>
      %dma_start3A_321 = arith.constant 0 : i32
      %dma_start3A_322 = tpu.memref_slice %arg4[%add3A_279, %dma_start3A_321] : memref<51200x128xf32, #tpu.memory_space<hbm>> -> memref<80x128xf32, #tpu.memory_space<hbm>>
      %dma_start3A_323 = arith.constant 0 : i32
      %dma_start3A_324 = tpu.memref_slice %arg4[%add3A_279, %dma_start3A_323] : memref<51200x128xf32, #tpu.memory_space<hbm>> -> memref<80x128xf32, #tpu.memory_space<hbm>>
      tpu.enqueue_dma source(%arg6 : memref<80x128xf32, #tpu.memory_space<vmem>>) target(%dma_start3A_324 : memref<80x128xf32, #tpu.memory_space<hbm>>) target_semaphore(%run_scoped3A : memref<!tpu.dma_semaphore, #tpu.memory_space<semaphore_mem>>)
      %dma_wait3A_325 = arith.constant 0 : i32
      %dma_wait3A_326 = tpu.memref_slice %arg4[%add3A_279, %dma_wait3A_325] : memref<51200x128xf32, #tpu.memory_space<hbm>> -> memref<80x128xf32, #tpu.memory_space<hbm>>
      %dma_wait3A_327 = arith.constant 0 : i32
      %dma_wait3A_328 = tpu.memref_slice %arg4[%add3A_279, %dma_wait3A_327] : memref<51200x128xf32, #tpu.memory_space<hbm>> -> memref<80x128xf32, #tpu.memory_space<hbm>>
      tpu.wait_dma2 semaphore(%run_scoped3A : memref<!tpu.dma_semaphore, #tpu.memory_space<semaphore_mem>>) src(%arg6 : memref<80x128xf32, #tpu.memory_space<vmem>>) dst(%dma_wait3A_328 : memref<80x128xf32, #tpu.memory_space<hbm>>)
      tpu.yield
    }) : () -> ()
    %dma_wait3A_280 = arith.constant 17 : i32
    %dma_wait3A_281 = arith.constant 0 : i32
    %dma_wait3A_282 = tpu.memref_slice %arg5[%dma_wait3A_280, %dma_wait3A_281] : memref<20x80xi32, #tpu.memory_space<vmem>> -> memref<1x80xi32, #tpu.memory_space<vmem>>
    %dma_wait3A_283 = tpu.memref_squeeze %dma_wait3A_282 : memref<1x80xi32, #tpu.memory_space<vmem>> -> memref<80xi32, #tpu.memory_space<vmem>>
    %dma_wait3A_284 = arith.constant 0 : i32
    %dma_wait3A_285 = arith.constant 0 : i32
    %dma_wait3A_286 = tpu.memref_slice %arg2[%dma_wait3A_284, %dma_wait3A_285] : memref<100000x128xf32, #tpu.memory_space<hbm>> -> memref<100000x128xf32, #tpu.memory_space<hbm>>
    tpu.wait_indirect_dma semaphore(%arg9 : memref<!tpu.dma_semaphore, #tpu.memory_space<semaphore_mem>>) src(%dma_wait3A_286 : memref<100000x128xf32, #tpu.memory_space<hbm>>) dst(%arg7 : memref<80x128xf32, #tpu.memory_space<vmem>>)
    %dma_start3A_287 = arith.constant 18 : i32
    %dma_start3A_288 = arith.constant 0 : i32
    %dma_start3A_289 = tpu.memref_slice %arg5[%dma_start3A_287, %dma_start3A_288] : memref<20x80xi32, #tpu.memory_space<vmem>> -> memref<1x80xi32, #tpu.memory_space<vmem>>
    %dma_start3A_290 = tpu.memref_squeeze %dma_start3A_289 : memref<1x80xi32, #tpu.memory_space<vmem>> -> memref<80xi32, #tpu.memory_space<vmem>>
    %dma_start3A_291 = arith.constant 0 : i32
    %dma_start3A_292 = arith.constant 0 : i32
    %dma_start3A_293 = tpu.memref_slice %arg2[%dma_start3A_291, %dma_start3A_292] : memref<100000x128xf32, #tpu.memory_space<hbm>> -> memref<100000x128xf32, #tpu.memory_space<hbm>>
    tpu.enqueue_indirect_dma source(%dma_start3A_293 : memref<100000x128xf32, #tpu.memory_space<hbm>>) target(%arg6 : memref<80x128xf32, #tpu.memory_space<vmem>>) offsets(%dma_start3A_290 : memref<80xi32, #tpu.memory_space<vmem>>) semaphore(%arg8 : memref<!tpu.dma_semaphore, #tpu.memory_space<semaphore_mem>>)
    %add3A_294 = arith.constant 1360 : i32
    %add3A_295 = arith.addi %mul3A_2, %add3A_294 : i32
    "tpu.region"() ({
      %run_scoped3A = tpu.sem_alloc : memref<!tpu.dma_semaphore, #tpu.memory_space<semaphore_mem>>
      %dma_start3A_321 = arith.constant 0 : i32
      %dma_start3A_322 = tpu.memref_slice %arg4[%add3A_295, %dma_start3A_321] : memref<51200x128xf32, #tpu.memory_space<hbm>> -> memref<80x128xf32, #tpu.memory_space<hbm>>
      %dma_start3A_323 = arith.constant 0 : i32
      %dma_start3A_324 = tpu.memref_slice %arg4[%add3A_295, %dma_start3A_323] : memref<51200x128xf32, #tpu.memory_space<hbm>> -> memref<80x128xf32, #tpu.memory_space<hbm>>
      tpu.enqueue_dma source(%arg7 : memref<80x128xf32, #tpu.memory_space<vmem>>) target(%dma_start3A_324 : memref<80x128xf32, #tpu.memory_space<hbm>>) target_semaphore(%run_scoped3A : memref<!tpu.dma_semaphore, #tpu.memory_space<semaphore_mem>>)
      %dma_wait3A_325 = arith.constant 0 : i32
      %dma_wait3A_326 = tpu.memref_slice %arg4[%add3A_295, %dma_wait3A_325] : memref<51200x128xf32, #tpu.memory_space<hbm>> -> memref<80x128xf32, #tpu.memory_space<hbm>>
      %dma_wait3A_327 = arith.constant 0 : i32
      %dma_wait3A_328 = tpu.memref_slice %arg4[%add3A_295, %dma_wait3A_327] : memref<51200x128xf32, #tpu.memory_space<hbm>> -> memref<80x128xf32, #tpu.memory_space<hbm>>
      tpu.wait_dma2 semaphore(%run_scoped3A : memref<!tpu.dma_semaphore, #tpu.memory_space<semaphore_mem>>) src(%arg7 : memref<80x128xf32, #tpu.memory_space<vmem>>) dst(%dma_wait3A_328 : memref<80x128xf32, #tpu.memory_space<hbm>>)
      tpu.yield
    }) : () -> ()
    %dma_wait3A_296 = arith.constant 18 : i32
    %dma_wait3A_297 = arith.constant 0 : i32
    %dma_wait3A_298 = tpu.memref_slice %arg5[%dma_wait3A_296, %dma_wait3A_297] : memref<20x80xi32, #tpu.memory_space<vmem>> -> memref<1x80xi32, #tpu.memory_space<vmem>>
    %dma_wait3A_299 = tpu.memref_squeeze %dma_wait3A_298 : memref<1x80xi32, #tpu.memory_space<vmem>> -> memref<80xi32, #tpu.memory_space<vmem>>
    %dma_wait3A_300 = arith.constant 0 : i32
    %dma_wait3A_301 = arith.constant 0 : i32
    %dma_wait3A_302 = tpu.memref_slice %arg2[%dma_wait3A_300, %dma_wait3A_301] : memref<100000x128xf32, #tpu.memory_space<hbm>> -> memref<100000x128xf32, #tpu.memory_space<hbm>>
    tpu.wait_indirect_dma semaphore(%arg8 : memref<!tpu.dma_semaphore, #tpu.memory_space<semaphore_mem>>) src(%dma_wait3A_302 : memref<100000x128xf32, #tpu.memory_space<hbm>>) dst(%arg6 : memref<80x128xf32, #tpu.memory_space<vmem>>)
    %dma_start3A_303 = arith.constant 19 : i32
    %dma_start3A_304 = arith.constant 0 : i32
    %dma_start3A_305 = tpu.memref_slice %arg5[%dma_start3A_303, %dma_start3A_304] : memref<20x80xi32, #tpu.memory_space<vmem>> -> memref<1x80xi32, #tpu.memory_space<vmem>>
    %dma_start3A_306 = tpu.memref_squeeze %dma_start3A_305 : memref<1x80xi32, #tpu.memory_space<vmem>> -> memref<80xi32, #tpu.memory_space<vmem>>
    %dma_start3A_307 = arith.constant 0 : i32
    %dma_start3A_308 = arith.constant 0 : i32
    %dma_start3A_309 = tpu.memref_slice %arg2[%dma_start3A_307, %dma_start3A_308] : memref<100000x128xf32, #tpu.memory_space<hbm>> -> memref<100000x128xf32, #tpu.memory_space<hbm>>
    tpu.enqueue_indirect_dma source(%dma_start3A_309 : memref<100000x128xf32, #tpu.memory_space<hbm>>) target(%arg7 : memref<80x128xf32, #tpu.memory_space<vmem>>) offsets(%dma_start3A_306 : memref<80xi32, #tpu.memory_space<vmem>>) semaphore(%arg9 : memref<!tpu.dma_semaphore, #tpu.memory_space<semaphore_mem>>)
    %add3A_310 = arith.constant 1440 : i32
    %add3A_311 = arith.addi %mul3A_2, %add3A_310 : i32
    "tpu.region"() ({
      %run_scoped3A = tpu.sem_alloc : memref<!tpu.dma_semaphore, #tpu.memory_space<semaphore_mem>>
      %dma_start3A_321 = arith.constant 0 : i32
      %dma_start3A_322 = tpu.memref_slice %arg4[%add3A_311, %dma_start3A_321] : memref<51200x128xf32, #tpu.memory_space<hbm>> -> memref<80x128xf32, #tpu.memory_space<hbm>>
      %dma_start3A_323 = arith.constant 0 : i32
      %dma_start3A_324 = tpu.memref_slice %arg4[%add3A_311, %dma_start3A_323] : memref<51200x128xf32, #tpu.memory_space<hbm>> -> memref<80x128xf32, #tpu.memory_space<hbm>>
      tpu.enqueue_dma source(%arg6 : memref<80x128xf32, #tpu.memory_space<vmem>>) target(%dma_start3A_324 : memref<80x128xf32, #tpu.memory_space<hbm>>) target_semaphore(%run_scoped3A : memref<!tpu.dma_semaphore, #tpu.memory_space<semaphore_mem>>)
      %dma_wait3A_325 = arith.constant 0 : i32
      %dma_wait3A_326 = tpu.memref_slice %arg4[%add3A_311, %dma_wait3A_325] : memref<51200x128xf32, #tpu.memory_space<hbm>> -> memref<80x128xf32, #tpu.memory_space<hbm>>
      %dma_wait3A_327 = arith.constant 0 : i32
      %dma_wait3A_328 = tpu.memref_slice %arg4[%add3A_311, %dma_wait3A_327] : memref<51200x128xf32, #tpu.memory_space<hbm>> -> memref<80x128xf32, #tpu.memory_space<hbm>>
      tpu.wait_dma2 semaphore(%run_scoped3A : memref<!tpu.dma_semaphore, #tpu.memory_space<semaphore_mem>>) src(%arg6 : memref<80x128xf32, #tpu.memory_space<vmem>>) dst(%dma_wait3A_328 : memref<80x128xf32, #tpu.memory_space<hbm>>)
      tpu.yield
    }) : () -> ()
    %dma_wait3A_312 = arith.constant 19 : i32
    %dma_wait3A_313 = arith.constant 0 : i32
    %dma_wait3A_314 = tpu.memref_slice %arg5[%dma_wait3A_312, %dma_wait3A_313] : memref<20x80xi32, #tpu.memory_space<vmem>> -> memref<1x80xi32, #tpu.memory_space<vmem>>
    %dma_wait3A_315 = tpu.memref_squeeze %dma_wait3A_314 : memref<1x80xi32, #tpu.memory_space<vmem>> -> memref<80xi32, #tpu.memory_space<vmem>>
    %dma_wait3A_316 = arith.constant 0 : i32
    %dma_wait3A_317 = arith.constant 0 : i32
    %dma_wait3A_318 = tpu.memref_slice %arg2[%dma_wait3A_316, %dma_wait3A_317] : memref<100000x128xf32, #tpu.memory_space<hbm>> -> memref<100000x128xf32, #tpu.memory_space<hbm>>
    tpu.wait_indirect_dma semaphore(%arg9 : memref<!tpu.dma_semaphore, #tpu.memory_space<semaphore_mem>>) src(%dma_wait3A_318 : memref<100000x128xf32, #tpu.memory_space<hbm>>) dst(%arg7 : memref<80x128xf32, #tpu.memory_space<vmem>>)
    %add3A_319 = arith.constant 1520 : i32
    %add3A_320 = arith.addi %mul3A_2, %add3A_319 : i32
    "tpu.region"() ({
      %run_scoped3A = tpu.sem_alloc : memref<!tpu.dma_semaphore, #tpu.memory_space<semaphore_mem>>
      %dma_start3A_321 = arith.constant 0 : i32
      %dma_start3A_322 = tpu.memref_slice %arg4[%add3A_320, %dma_start3A_321] : memref<51200x128xf32, #tpu.memory_space<hbm>> -> memref<80x128xf32, #tpu.memory_space<hbm>>
      %dma_start3A_323 = arith.constant 0 : i32
      %dma_start3A_324 = tpu.memref_slice %arg4[%add3A_320, %dma_start3A_323] : memref<51200x128xf32, #tpu.memory_space<hbm>> -> memref<80x128xf32, #tpu.memory_space<hbm>>
      tpu.enqueue_dma source(%arg7 : memref<80x128xf32, #tpu.memory_space<vmem>>) target(%dma_start3A_324 : memref<80x128xf32, #tpu.memory_space<hbm>>) target_semaphore(%run_scoped3A : memref<!tpu.dma_semaphore, #tpu.memory_space<semaphore_mem>>)
      %dma_wait3A_325 = arith.constant 0 : i32
      %dma_wait3A_326 = tpu.memref_slice %arg4[%add3A_320, %dma_wait3A_325] : memref<51200x128xf32, #tpu.memory_space<hbm>> -> memref<80x128xf32, #tpu.memory_space<hbm>>
      %dma_wait3A_327 = arith.constant 0 : i32
      %dma_wait3A_328 = tpu.memref_slice %arg4[%add3A_320, %dma_wait3A_327] : memref<51200x128xf32, #tpu.memory_space<hbm>> -> memref<80x128xf32, #tpu.memory_space<hbm>>
      tpu.wait_dma2 semaphore(%run_scoped3A : memref<!tpu.dma_semaphore, #tpu.memory_space<semaphore_mem>>) src(%arg7 : memref<80x128xf32, #tpu.memory_space<vmem>>) dst(%dma_wait3A_328 : memref<80x128xf32, #tpu.memory_space<hbm>>)
      tpu.yield
    }) : () -> ()
    return
  }
}

module attributes {stable_mosaic.version = 14 : i64} {
  func.func @_scan_body(%arg0: i32, %arg1: memref<1x1024x128xf32, #tpu.memory_space<vmem>>, %arg2: memref<1x1024x128xf32, #tpu.memory_space<vmem>>, %arg3: memref<1024x384xbf16, #tpu.memory_space<vmem>>, %arg4: memref<1x1024xbf16, #tpu.memory_space<vmem>>, %arg5: memref<1024x384xbf16, #tpu.memory_space<vmem>>, %arg6: memref<1x1024xbf16, #tpu.memory_space<vmem>>, %arg7: memref<1x1024x256xbf16, #tpu.memory_space<vmem>>, %arg8: memref<1x1024x256xbf16, #tpu.memory_space<vmem>>, %arg9: memref<1024x512xf32, #tpu.memory_space<vmem>>, %arg10: memref<1024x256xbf16, #tpu.memory_space<vmem>>, %arg11: memref<1024x256xf32, #tpu.memory_space<vmem>>, %arg12: memref<1024x256xbf16, #tpu.memory_space<vmem>>, %arg13: memref<1024x256xf32, #tpu.memory_space<vmem>>) attributes {dimension_semantics = [#tpu.dimension_semantics<arbitrary>], iteration_bounds = array<i64: 50>, scalar_prefetch = 0 : i64, scratch_operands = 4 : i64, tpu.core_type = #tpu.core_type<tc>, window_params = [{transform_indices = @transform_0, window_bounds = array<i64: 1, 1024, 128>}, {transform_indices = @transform_1, window_bounds = array<i64: 1, 1024, 128>}, {pipeline_mode = #tpu.pipeline_mode<synchronous>, transform_indices = @transform_2, window_bounds = array<i64: 1024, 384>}, {pipeline_mode = #tpu.pipeline_mode<synchronous>, transform_indices = @transform_3, window_bounds = array<i64: 1, 1024>}, {pipeline_mode = #tpu.pipeline_mode<synchronous>, transform_indices = @transform_4, window_bounds = array<i64: 1024, 384>}, {pipeline_mode = #tpu.pipeline_mode<synchronous>, transform_indices = @transform_5, window_bounds = array<i64: 1, 1024>}, {transform_indices = @transform_6, window_bounds = array<i64: 1, 1024, 256>}, {transform_indices = @transform_7, window_bounds = array<i64: 1, 1024, 256>}, {pipeline_mode = #tpu.pipeline_mode<synchronous>, transform_indices = @transform_8, window_bounds = array<i64: 1024, 512>}]} {
    %eq3A = arith.constant 0 : i32
    %eq3A_0 = arith.cmpi eq, %arg0, %eq3A : i32
    %convert_element_type3A = arith.extui %eq3A_0 : i1 to i32
    %cond3A = arith.constant 0 : i32
    %cond3A_1 = arith.cmpi ne, %convert_element_type3A, %cond3A : i32
    scf.if %cond3A_1 {
      %broadcast_in_dim3A = arith.constant 0.000000e+00 : bf16
      %broadcast_in_dim3A_714 = vector.broadcast %broadcast_in_dim3A : bf16 to vector<1024x256xbf16>
      %swap3A_715 = arith.constant 0 : index
      %swap3A_716 = arith.constant 0 : index
      %swap3A_717 = vector.load %arg10[%swap3A_715, %swap3A_716] : memref<1024x256xbf16, #tpu.memory_space<vmem>>, vector<1024x256xbf16>
      tpu.vector_store %arg10[%swap3A_715, %swap3A_716], %broadcast_in_dim3A_714 {strides = array<i32>} : memref<1024x256xbf16, #tpu.memory_space<vmem>>, vector<1024x256xbf16>,
      %broadcast_in_dim3A_718 = arith.constant 0.000000e+00 : f32
      %broadcast_in_dim3A_719 = vector.broadcast %broadcast_in_dim3A_718 : f32 to vector<1024x256xf32>
      %swap3A_720 = arith.constant 0 : index
      %swap3A_721 = arith.constant 0 : index
      %swap3A_722 = vector.load %arg11[%swap3A_720, %swap3A_721] : memref<1024x256xf32, #tpu.memory_space<vmem>>, vector<1024x256xf32>
      tpu.vector_store %arg11[%swap3A_720, %swap3A_721], %broadcast_in_dim3A_719 {strides = array<i32>} : memref<1024x256xf32, #tpu.memory_space<vmem>>, vector<1024x256xf32>,
      %broadcast_in_dim3A_723 = arith.constant 0.000000e+00 : bf16
      %broadcast_in_dim3A_724 = vector.broadcast %broadcast_in_dim3A_723 : bf16 to vector<1024x256xbf16>
      %swap3A_725 = arith.constant 0 : index
      %swap3A_726 = arith.constant 0 : index
      %swap3A_727 = vector.load %arg12[%swap3A_725, %swap3A_726] : memref<1024x256xbf16, #tpu.memory_space<vmem>>, vector<1024x256xbf16>
      tpu.vector_store %arg12[%swap3A_725, %swap3A_726], %broadcast_in_dim3A_724 {strides = array<i32>} : memref<1024x256xbf16, #tpu.memory_space<vmem>>, vector<1024x256xbf16>,
      %broadcast_in_dim3A_728 = arith.constant 0.000000e+00 : f32
      %broadcast_in_dim3A_729 = vector.broadcast %broadcast_in_dim3A_728 : f32 to vector<1024x256xf32>
      %swap3A_730 = arith.constant 0 : index
      %swap3A_731 = arith.constant 0 : index
      %swap3A_732 = vector.load %arg13[%swap3A_730, %swap3A_731] : memref<1024x256xf32, #tpu.memory_space<vmem>>, vector<1024x256xf32>
      tpu.vector_store %arg13[%swap3A_730, %swap3A_731], %broadcast_in_dim3A_729 {strides = array<i32>} : memref<1024x256xf32, #tpu.memory_space<vmem>>, vector<1024x256xf32>,
      %broadcast_in_dim3A_733 = arith.constant 0.000000e+00 : f32
      %broadcast_in_dim3A_734 = vector.broadcast %broadcast_in_dim3A_733 : f32 to vector<1024x512xf32>
      %swap3A_735 = arith.constant 0 : index
      %swap3A_736 = arith.constant 0 : index
      %swap3A_737 = vector.load %arg9[%swap3A_735, %swap3A_736] : memref<1024x512xf32, #tpu.memory_space<vmem>>, vector<1024x512xf32>
      tpu.vector_store %arg9[%swap3A_735, %swap3A_736], %broadcast_in_dim3A_734 {strides = array<i32>} : memref<1024x512xf32, #tpu.memory_space<vmem>>, vector<1024x512xf32>,
    } else {
    }
    %get3A = arith.constant 0 : index
    %get3A_2 = arith.constant 0 : index
    %get3A_3 = arith.constant 0 : index
    %get3A_4 = vector.load %arg1[%get3A, %get3A_2, %get3A_3] : memref<1x1024x128xf32, #tpu.memory_space<vmem>>, vector<1x256x128xf32>
    %get3A_5 = vector.shape_cast %get3A_4 : vector<1x256x128xf32> to vector<256x128xf32>
    %get3A_6 = arith.constant 0 : index
    %get3A_7 = arith.constant 0 : index
    %get3A_8 = vector.load %arg10[%get3A_6, %get3A_7] : memref<1024x256xbf16, #tpu.memory_space<vmem>>, vector<256x256xbf16>
    %get3A_9 = arith.constant 0 : index
    %get3A_10 = arith.constant 0 : index
    %get3A_11 = vector.load %arg11[%get3A_9, %get3A_10] : memref<1024x256xf32, #tpu.memory_space<vmem>>, vector<256x256xf32>
    %get3A_12 = arith.constant 0 : index
    %get3A_13 = arith.constant 0 : index
    %get3A_14 = vector.load %arg3[%get3A_12, %get3A_13] : memref<1024x384xbf16, #tpu.memory_space<vmem>>, vector<1024x384xbf16>
    %get3A_15 = arith.constant 0 : index
    %get3A_16 = arith.constant 0 : index
    %get3A_17 = vector.load %arg4[%get3A_15, %get3A_16] : memref<1x1024xbf16, #tpu.memory_space<vmem>>, vector<1x1024xbf16>
    %convert_element_type3A_18 = arith.truncf %get3A_5 : vector<256x128xf32> to vector<256x128xbf16>
    %concatenate3A = tpu.concatenate %convert_element_type3A_18, %get3A_8 in 1 : vector<256x128xbf16>, vector<256x256xbf16> -> vector<256x384xbf16>
    %dot_general3A = arith.constant dense<0.000000e+00> : vector<256x1024xf32>
    %dot_general3A_19 = tpu.matmul %concatenate3A, %get3A_14, %dot_general3A {dimension_numbers = #tpu.dot_dimension_numbers<[1], [1], [0], [0], [0, 0, 1, 0], [], []>, transpose_lhs_hint = false} : vector<256x384xbf16>, vector<1024x384xbf16>, vector<256x1024xf32> -> vector<256x1024xf32>
    %convert_element_type3A_20 = arith.truncf %dot_general3A_19 : vector<256x1024xf32> to vector<256x1024xbf16>
    %add3A = vector.broadcast %get3A_17 : vector<1x1024xbf16> to vector<256x1024xbf16>
    %add3A_21 = arith.addf %convert_element_type3A_20, %add3A : vector<256x1024xbf16>
    %slice3A = vector.extract_strided_slice %add3A_21 {offsets = [0, 0], sizes = [256, 256], strides = [1, 1]} : vector<256x1024xbf16> to vector<256x256xbf16>
    %mul3A = arith.constant 5.000000e-01 : bf16
    %mul3A_22 = vector.broadcast %mul3A : bf16 to vector<256x256xbf16>
    %mul3A_23 = arith.mulf %mul3A_22, %slice3A : vector<256x256xbf16>
    %tanh3A = math.tanh %mul3A_23 : vector<256x256xbf16>
    %mul3A_24 = arith.constant 5.000000e-01 : bf16
    %mul3A_25 = vector.broadcast %mul3A_24 : bf16 to vector<256x256xbf16>
    %mul3A_26 = arith.mulf %mul3A_25, %tanh3A : vector<256x256xbf16>
    %add3A_27 = arith.constant 5.000000e-01 : bf16
    %add3A_28 = vector.broadcast %add3A_27 : bf16 to vector<256x256xbf16>
    %add3A_29 = arith.addf %mul3A_26, %add3A_28 : vector<256x256xbf16>
    %slice3A_30 = vector.extract_strided_slice %add3A_21 {offsets = [0, 256], sizes = [256, 256], strides = [1, 1]} : vector<256x1024xbf16> to vector<256x256xbf16>
    %mul3A_31 = arith.constant 5.000000e-01 : bf16
    %mul3A_32 = vector.broadcast %mul3A_31 : bf16 to vector<256x256xbf16>
    %mul3A_33 = arith.mulf %mul3A_32, %slice3A_30 : vector<256x256xbf16>
    %tanh3A_34 = math.tanh %mul3A_33 : vector<256x256xbf16>
    %mul3A_35 = arith.constant 5.000000e-01 : bf16
    %mul3A_36 = vector.broadcast %mul3A_35 : bf16 to vector<256x256xbf16>
    %mul3A_37 = arith.mulf %mul3A_36, %tanh3A_34 : vector<256x256xbf16>
    %add3A_38 = arith.constant 5.000000e-01 : bf16
    %add3A_39 = vector.broadcast %add3A_38 : bf16 to vector<256x256xbf16>
    %add3A_40 = arith.addf %mul3A_37, %add3A_39 : vector<256x256xbf16>
    %slice3A_41 = vector.extract_strided_slice %add3A_21 {offsets = [0, 512], sizes = [256, 256], strides = [1, 1]} : vector<256x1024xbf16> to vector<256x256xbf16>
    %tanh3A_42 = math.tanh %slice3A_41 : vector<256x256xbf16>
    %slice3A_43 = vector.extract_strided_slice %add3A_21 {offsets = [0, 768], sizes = [256, 256], strides = [1, 1]} : vector<256x1024xbf16> to vector<256x256xbf16>
    %mul3A_44 = arith.constant 5.000000e-01 : bf16
    %mul3A_45 = vector.broadcast %mul3A_44 : bf16 to vector<256x256xbf16>
    %mul3A_46 = arith.mulf %mul3A_45, %slice3A_43 : vector<256x256xbf16>
    %tanh3A_47 = math.tanh %mul3A_46 : vector<256x256xbf16>
    %mul3A_48 = arith.constant 5.000000e-01 : bf16
    %mul3A_49 = vector.broadcast %mul3A_48 : bf16 to vector<256x256xbf16>
    %mul3A_50 = arith.mulf %mul3A_49, %tanh3A_47 : vector<256x256xbf16>
    %add3A_51 = arith.constant 5.000000e-01 : bf16
    %add3A_52 = vector.broadcast %add3A_51 : bf16 to vector<256x256xbf16>
    %add3A_53 = arith.addf %mul3A_50, %add3A_52 : vector<256x256xbf16>
    %convert_element_type3A_54 = arith.extf %add3A_40 : vector<256x256xbf16> to vector<256x256xf32>
    %mul3A_55 = arith.mulf %convert_element_type3A_54, %get3A_11 : vector<256x256xf32>
    %mul3A_56 = arith.mulf %add3A_29, %tanh3A_42 : vector<256x256xbf16>
    %convert_element_type3A_57 = arith.extf %mul3A_56 : vector<256x256xbf16> to vector<256x256xf32>
    %add3A_58 = arith.addf %mul3A_55, %convert_element_type3A_57 : vector<256x256xf32>
    %tanh3A_59 = math.tanh %add3A_58 : vector<256x256xf32>
    %convert_element_type3A_60 = arith.truncf %tanh3A_59 : vector<256x256xf32> to vector<256x256xbf16>
    %mul3A_61 = arith.mulf %add3A_53, %convert_element_type3A_60 : vector<256x256xbf16>
    %swap3A = arith.constant 0 : index
    %swap3A_62 = arith.constant 0 : index
    %swap3A_63 = vector.load %arg10[%swap3A, %swap3A_62] : memref<1024x256xbf16, #tpu.memory_space<vmem>>, vector<256x256xbf16>
    tpu.vector_store %arg10[%swap3A, %swap3A_62], %mul3A_61 {strides = array<i32>} : memref<1024x256xbf16, #tpu.memory_space<vmem>>, vector<256x256xbf16>,
    %swap3A_64 = arith.constant 0 : index
    %swap3A_65 = arith.constant 0 : index
    %swap3A_66 = vector.load %arg11[%swap3A_64, %swap3A_65] : memref<1024x256xf32, #tpu.memory_space<vmem>>, vector<256x256xf32>
    tpu.vector_store %arg11[%swap3A_64, %swap3A_65], %add3A_58 {strides = array<i32>} : memref<1024x256xf32, #tpu.memory_space<vmem>>, vector<256x256xf32>,
    %swap3A_67 = arith.constant 0 : index
    %swap3A_68 = arith.constant 0 : index
    %swap3A_69 = arith.constant 0 : index
    %swap3A_70 = vector.load %arg7[%swap3A_67, %swap3A_68, %swap3A_69] : memref<1x1024x256xbf16, #tpu.memory_space<vmem>>, vector<1x256x256xbf16>
    %swap3A_71 = vector.shape_cast %swap3A_70 : vector<1x256x256xbf16> to vector<256x256xbf16>
    %swap3A_72 = vector.shape_cast %mul3A_61 : vector<256x256xbf16> to vector<1x256x256xbf16>
    tpu.vector_store %arg7[%swap3A_67, %swap3A_68, %swap3A_69], %swap3A_72 {strides = array<i32>} : memref<1x1024x256xbf16, #tpu.memory_space<vmem>>, vector<1x256x256xbf16>,
    %get3A_73 = arith.constant 0 : index
    %get3A_74 = arith.constant 0 : index
    %get3A_75 = arith.constant 0 : index
    %get3A_76 = vector.load %arg2[%get3A_73, %get3A_74, %get3A_75] : memref<1x1024x128xf32, #tpu.memory_space<vmem>>, vector<1x256x128xf32>
    %get3A_77 = vector.shape_cast %get3A_76 : vector<1x256x128xf32> to vector<256x128xf32>
    %get3A_78 = arith.constant 0 : index
    %get3A_79 = arith.constant 0 : index
    %get3A_80 = vector.load %arg12[%get3A_78, %get3A_79] : memref<1024x256xbf16, #tpu.memory_space<vmem>>, vector<256x256xbf16>
    %get3A_81 = arith.constant 0 : index
    %get3A_82 = arith.constant 0 : index
    %get3A_83 = vector.load %arg13[%get3A_81, %get3A_82] : memref<1024x256xf32, #tpu.memory_space<vmem>>, vector<256x256xf32>
    %get3A_84 = arith.constant 0 : index
    %get3A_85 = arith.constant 0 : index
    %get3A_86 = vector.load %arg5[%get3A_84, %get3A_85] : memref<1024x384xbf16, #tpu.memory_space<vmem>>, vector<1024x384xbf16>
    %get3A_87 = arith.constant 0 : index
    %get3A_88 = arith.constant 0 : index
    %get3A_89 = vector.load %arg6[%get3A_87, %get3A_88] : memref<1x1024xbf16, #tpu.memory_space<vmem>>, vector<1x1024xbf16>
    %convert_element_type3A_90 = arith.truncf %get3A_77 : vector<256x128xf32> to vector<256x128xbf16>
    %concatenate3A_91 = tpu.concatenate %convert_element_type3A_90, %get3A_80 in 1 : vector<256x128xbf16>, vector<256x256xbf16> -> vector<256x384xbf16>
    %dot_general3A_92 = arith.constant dense<0.000000e+00> : vector<256x1024xf32>
    %dot_general3A_93 = tpu.matmul %concatenate3A_91, %get3A_86, %dot_general3A_92 {dimension_numbers = #tpu.dot_dimension_numbers<[1], [1], [0], [0], [0, 0, 1, 0], [], []>, transpose_lhs_hint = false} : vector<256x384xbf16>, vector<1024x384xbf16>, vector<256x1024xf32> -> vector<256x1024xf32>
    %convert_element_type3A_94 = arith.truncf %dot_general3A_93 : vector<256x1024xf32> to vector<256x1024xbf16>
    %add3A_95 = vector.broadcast %get3A_89 : vector<1x1024xbf16> to vector<256x1024xbf16>
    %add3A_96 = arith.addf %convert_element_type3A_94, %add3A_95 : vector<256x1024xbf16>
    %slice3A_97 = vector.extract_strided_slice %add3A_96 {offsets = [0, 0], sizes = [256, 256], strides = [1, 1]} : vector<256x1024xbf16> to vector<256x256xbf16>
    %mul3A_98 = arith.constant 5.000000e-01 : bf16
    %mul3A_99 = vector.broadcast %mul3A_98 : bf16 to vector<256x256xbf16>
    %mul3A_100 = arith.mulf %mul3A_99, %slice3A_97 : vector<256x256xbf16>
    %tanh3A_101 = math.tanh %mul3A_100 : vector<256x256xbf16>
    %mul3A_102 = arith.constant 5.000000e-01 : bf16
    %mul3A_103 = vector.broadcast %mul3A_102 : bf16 to vector<256x256xbf16>
    %mul3A_104 = arith.mulf %mul3A_103, %tanh3A_101 : vector<256x256xbf16>
    %add3A_105 = arith.constant 5.000000e-01 : bf16
    %add3A_106 = vector.broadcast %add3A_105 : bf16 to vector<256x256xbf16>
    %add3A_107 = arith.addf %mul3A_104, %add3A_106 : vector<256x256xbf16>
    %slice3A_108 = vector.extract_strided_slice %add3A_96 {offsets = [0, 256], sizes = [256, 256], strides = [1, 1]} : vector<256x1024xbf16> to vector<256x256xbf16>
    %mul3A_109 = arith.constant 5.000000e-01 : bf16
    %mul3A_110 = vector.broadcast %mul3A_109 : bf16 to vector<256x256xbf16>
    %mul3A_111 = arith.mulf %mul3A_110, %slice3A_108 : vector<256x256xbf16>
    %tanh3A_112 = math.tanh %mul3A_111 : vector<256x256xbf16>
    %mul3A_113 = arith.constant 5.000000e-01 : bf16
    %mul3A_114 = vector.broadcast %mul3A_113 : bf16 to vector<256x256xbf16>
    %mul3A_115 = arith.mulf %mul3A_114, %tanh3A_112 : vector<256x256xbf16>
    %add3A_116 = arith.constant 5.000000e-01 : bf16
    %add3A_117 = vector.broadcast %add3A_116 : bf16 to vector<256x256xbf16>
    %add3A_118 = arith.addf %mul3A_115, %add3A_117 : vector<256x256xbf16>
    %slice3A_119 = vector.extract_strided_slice %add3A_96 {offsets = [0, 512], sizes = [256, 256], strides = [1, 1]} : vector<256x1024xbf16> to vector<256x256xbf16>
    %tanh3A_120 = math.tanh %slice3A_119 : vector<256x256xbf16>
    %slice3A_121 = vector.extract_strided_slice %add3A_96 {offsets = [0, 768], sizes = [256, 256], strides = [1, 1]} : vector<256x1024xbf16> to vector<256x256xbf16>
    %mul3A_122 = arith.constant 5.000000e-01 : bf16
    %mul3A_123 = vector.broadcast %mul3A_122 : bf16 to vector<256x256xbf16>
    %mul3A_124 = arith.mulf %mul3A_123, %slice3A_121 : vector<256x256xbf16>
    %tanh3A_125 = math.tanh %mul3A_124 : vector<256x256xbf16>
    %mul3A_126 = arith.constant 5.000000e-01 : bf16
    %mul3A_127 = vector.broadcast %mul3A_126 : bf16 to vector<256x256xbf16>
    %mul3A_128 = arith.mulf %mul3A_127, %tanh3A_125 : vector<256x256xbf16>
    %add3A_129 = arith.constant 5.000000e-01 : bf16
    %add3A_130 = vector.broadcast %add3A_129 : bf16 to vector<256x256xbf16>
    %add3A_131 = arith.addf %mul3A_128, %add3A_130 : vector<256x256xbf16>
    %convert_element_type3A_132 = arith.extf %add3A_118 : vector<256x256xbf16> to vector<256x256xf32>
    %mul3A_133 = arith.mulf %convert_element_type3A_132, %get3A_83 : vector<256x256xf32>
    %mul3A_134 = arith.mulf %add3A_107, %tanh3A_120 : vector<256x256xbf16>
    %convert_element_type3A_135 = arith.extf %mul3A_134 : vector<256x256xbf16> to vector<256x256xf32>
    %add3A_136 = arith.addf %mul3A_133, %convert_element_type3A_135 : vector<256x256xf32>
    %tanh3A_137 = math.tanh %add3A_136 : vector<256x256xf32>
    %convert_element_type3A_138 = arith.truncf %tanh3A_137 : vector<256x256xf32> to vector<256x256xbf16>
    %mul3A_139 = arith.mulf %add3A_131, %convert_element_type3A_138 : vector<256x256xbf16>
    %swap3A_140 = arith.constant 0 : index
    %swap3A_141 = arith.constant 0 : index
    %swap3A_142 = vector.load %arg12[%swap3A_140, %swap3A_141] : memref<1024x256xbf16, #tpu.memory_space<vmem>>, vector<256x256xbf16>
    tpu.vector_store %arg12[%swap3A_140, %swap3A_141], %mul3A_139 {strides = array<i32>} : memref<1024x256xbf16, #tpu.memory_space<vmem>>, vector<256x256xbf16>,
    %swap3A_143 = arith.constant 0 : index
    %swap3A_144 = arith.constant 0 : index
    %swap3A_145 = vector.load %arg13[%swap3A_143, %swap3A_144] : memref<1024x256xf32, #tpu.memory_space<vmem>>, vector<256x256xf32>
    tpu.vector_store %arg13[%swap3A_143, %swap3A_144], %add3A_136 {strides = array<i32>} : memref<1024x256xf32, #tpu.memory_space<vmem>>, vector<256x256xf32>,
    %swap3A_146 = arith.constant 0 : index
    %swap3A_147 = arith.constant 0 : index
    %swap3A_148 = arith.constant 0 : index
    %swap3A_149 = vector.load %arg8[%swap3A_146, %swap3A_147, %swap3A_148] : memref<1x1024x256xbf16, #tpu.memory_space<vmem>>, vector<1x256x256xbf16>
    %swap3A_150 = vector.shape_cast %swap3A_149 : vector<1x256x256xbf16> to vector<256x256xbf16>
    %swap3A_151 = vector.shape_cast %mul3A_139 : vector<256x256xbf16> to vector<1x256x256xbf16>
    tpu.vector_store %arg8[%swap3A_146, %swap3A_147, %swap3A_148], %swap3A_151 {strides = array<i32>} : memref<1x1024x256xbf16, #tpu.memory_space<vmem>>, vector<1x256x256xbf16>,
    %get3A_152 = arith.constant 0 : index
    %get3A_153 = arith.constant 0 : index
    %get3A_154 = vector.load %arg9[%get3A_152, %get3A_153] : memref<1024x512xf32, #tpu.memory_space<vmem>>, vector<256x256xf32>
    %convert_element_type3A_155 = arith.extf %mul3A_61 : vector<256x256xbf16> to vector<256x256xf32>
    %mul3A_156 = arith.constant 2.000000e-02 : f32
    %mul3A_157 = vector.broadcast %mul3A_156 : f32 to vector<256x256xf32>
    %mul3A_158 = arith.mulf %convert_element_type3A_155, %mul3A_157 : vector<256x256xf32>
    %add3A_159 = arith.addf %get3A_154, %mul3A_158 : vector<256x256xf32>
    %swap3A_160 = arith.constant 0 : index
    %swap3A_161 = arith.constant 0 : index
    %swap3A_162 = vector.load %arg9[%swap3A_160, %swap3A_161] : memref<1024x512xf32, #tpu.memory_space<vmem>>, vector<256x256xf32>
    tpu.vector_store %arg9[%swap3A_160, %swap3A_161], %add3A_159 {strides = array<i32>} : memref<1024x512xf32, #tpu.memory_space<vmem>>, vector<256x256xf32>,
    %get3A_163 = arith.constant 0 : index
    %get3A_164 = arith.constant 256 : index
    %get3A_165 = vector.load %arg9[%get3A_163, %get3A_164] : memref<1024x512xf32, #tpu.memory_space<vmem>>, vector<256x256xf32>
    %convert_element_type3A_166 = arith.extf %mul3A_139 : vector<256x256xbf16> to vector<256x256xf32>
    %mul3A_167 = arith.constant 2.000000e-02 : f32
    %mul3A_168 = vector.broadcast %mul3A_167 : f32 to vector<256x256xf32>
    %mul3A_169 = arith.mulf %convert_element_type3A_166, %mul3A_168 : vector<256x256xf32>
    %add3A_170 = arith.addf %get3A_165, %mul3A_169 : vector<256x256xf32>
    %swap3A_171 = arith.constant 0 : index
    %swap3A_172 = arith.constant 256 : index
    %swap3A_173 = vector.load %arg9[%swap3A_171, %swap3A_172] : memref<1024x512xf32, #tpu.memory_space<vmem>>, vector<256x256xf32>
    tpu.vector_store %arg9[%swap3A_171, %swap3A_172], %add3A_170 {strides = array<i32>} : memref<1024x512xf32, #tpu.memory_space<vmem>>, vector<256x256xf32>,
    %get3A_174 = arith.constant 0 : index
    %get3A_175 = arith.constant 256 : index
    %get3A_176 = arith.constant 0 : index
    %get3A_177 = vector.load %arg1[%get3A_174, %get3A_175, %get3A_176] : memref<1x1024x128xf32, #tpu.memory_space<vmem>>, vector<1x256x128xf32>
    %get3A_178 = vector.shape_cast %get3A_177 : vector<1x256x128xf32> to vector<256x128xf32>
    %get3A_179 = arith.constant 256 : index
    %get3A_180 = arith.constant 0 : index
    %get3A_181 = vector.load %arg10[%get3A_179, %get3A_180] : memref<1024x256xbf16, #tpu.memory_space<vmem>>, vector<256x256xbf16>
    %get3A_182 = arith.constant 256 : index
    %get3A_183 = arith.constant 0 : index
    %get3A_184 = vector.load %arg11[%get3A_182, %get3A_183] : memref<1024x256xf32, #tpu.memory_space<vmem>>, vector<256x256xf32>
    %get3A_185 = arith.constant 0 : index
    %get3A_186 = arith.constant 0 : index
    %get3A_187 = vector.load %arg3[%get3A_185, %get3A_186] : memref<1024x384xbf16, #tpu.memory_space<vmem>>, vector<1024x384xbf16>
    %get3A_188 = arith.constant 0 : index
    %get3A_189 = arith.constant 0 : index
    %get3A_190 = vector.load %arg4[%get3A_188, %get3A_189] : memref<1x1024xbf16, #tpu.memory_space<vmem>>, vector<1x1024xbf16>
    %convert_element_type3A_191 = arith.truncf %get3A_178 : vector<256x128xf32> to vector<256x128xbf16>
    %concatenate3A_192 = tpu.concatenate %convert_element_type3A_191, %get3A_181 in 1 : vector<256x128xbf16>, vector<256x256xbf16> -> vector<256x384xbf16>
    %dot_general3A_193 = arith.constant dense<0.000000e+00> : vector<256x1024xf32>
    %dot_general3A_194 = tpu.matmul %concatenate3A_192, %get3A_187, %dot_general3A_193 {dimension_numbers = #tpu.dot_dimension_numbers<[1], [1], [0], [0], [0, 0, 1, 0], [], []>, transpose_lhs_hint = false} : vector<256x384xbf16>, vector<1024x384xbf16>, vector<256x1024xf32> -> vector<256x1024xf32>
    %convert_element_type3A_195 = arith.truncf %dot_general3A_194 : vector<256x1024xf32> to vector<256x1024xbf16>
    %add3A_196 = vector.broadcast %get3A_190 : vector<1x1024xbf16> to vector<256x1024xbf16>
    %add3A_197 = arith.addf %convert_element_type3A_195, %add3A_196 : vector<256x1024xbf16>
    %slice3A_198 = vector.extract_strided_slice %add3A_197 {offsets = [0, 0], sizes = [256, 256], strides = [1, 1]} : vector<256x1024xbf16> to vector<256x256xbf16>
    %mul3A_199 = arith.constant 5.000000e-01 : bf16
    %mul3A_200 = vector.broadcast %mul3A_199 : bf16 to vector<256x256xbf16>
    %mul3A_201 = arith.mulf %mul3A_200, %slice3A_198 : vector<256x256xbf16>
    %tanh3A_202 = math.tanh %mul3A_201 : vector<256x256xbf16>
    %mul3A_203 = arith.constant 5.000000e-01 : bf16
    %mul3A_204 = vector.broadcast %mul3A_203 : bf16 to vector<256x256xbf16>
    %mul3A_205 = arith.mulf %mul3A_204, %tanh3A_202 : vector<256x256xbf16>
    %add3A_206 = arith.constant 5.000000e-01 : bf16
    %add3A_207 = vector.broadcast %add3A_206 : bf16 to vector<256x256xbf16>
    %add3A_208 = arith.addf %mul3A_205, %add3A_207 : vector<256x256xbf16>
    %slice3A_209 = vector.extract_strided_slice %add3A_197 {offsets = [0, 256], sizes = [256, 256], strides = [1, 1]} : vector<256x1024xbf16> to vector<256x256xbf16>
    %mul3A_210 = arith.constant 5.000000e-01 : bf16
    %mul3A_211 = vector.broadcast %mul3A_210 : bf16 to vector<256x256xbf16>
    %mul3A_212 = arith.mulf %mul3A_211, %slice3A_209 : vector<256x256xbf16>
    %tanh3A_213 = math.tanh %mul3A_212 : vector<256x256xbf16>
    %mul3A_214 = arith.constant 5.000000e-01 : bf16
    %mul3A_215 = vector.broadcast %mul3A_214 : bf16 to vector<256x256xbf16>
    %mul3A_216 = arith.mulf %mul3A_215, %tanh3A_213 : vector<256x256xbf16>
    %add3A_217 = arith.constant 5.000000e-01 : bf16
    %add3A_218 = vector.broadcast %add3A_217 : bf16 to vector<256x256xbf16>
    %add3A_219 = arith.addf %mul3A_216, %add3A_218 : vector<256x256xbf16>
    %slice3A_220 = vector.extract_strided_slice %add3A_197 {offsets = [0, 512], sizes = [256, 256], strides = [1, 1]} : vector<256x1024xbf16> to vector<256x256xbf16>
    %tanh3A_221 = math.tanh %slice3A_220 : vector<256x256xbf16>
    %slice3A_222 = vector.extract_strided_slice %add3A_197 {offsets = [0, 768], sizes = [256, 256], strides = [1, 1]} : vector<256x1024xbf16> to vector<256x256xbf16>
    %mul3A_223 = arith.constant 5.000000e-01 : bf16
    %mul3A_224 = vector.broadcast %mul3A_223 : bf16 to vector<256x256xbf16>
    %mul3A_225 = arith.mulf %mul3A_224, %slice3A_222 : vector<256x256xbf16>
    %tanh3A_226 = math.tanh %mul3A_225 : vector<256x256xbf16>
    %mul3A_227 = arith.constant 5.000000e-01 : bf16
    %mul3A_228 = vector.broadcast %mul3A_227 : bf16 to vector<256x256xbf16>
    %mul3A_229 = arith.mulf %mul3A_228, %tanh3A_226 : vector<256x256xbf16>
    %add3A_230 = arith.constant 5.000000e-01 : bf16
    %add3A_231 = vector.broadcast %add3A_230 : bf16 to vector<256x256xbf16>
    %add3A_232 = arith.addf %mul3A_229, %add3A_231 : vector<256x256xbf16>
    %convert_element_type3A_233 = arith.extf %add3A_219 : vector<256x256xbf16> to vector<256x256xf32>
    %mul3A_234 = arith.mulf %convert_element_type3A_233, %get3A_184 : vector<256x256xf32>
    %mul3A_235 = arith.mulf %add3A_208, %tanh3A_221 : vector<256x256xbf16>
    %convert_element_type3A_236 = arith.extf %mul3A_235 : vector<256x256xbf16> to vector<256x256xf32>
    %add3A_237 = arith.addf %mul3A_234, %convert_element_type3A_236 : vector<256x256xf32>
    %tanh3A_238 = math.tanh %add3A_237 : vector<256x256xf32>
    %convert_element_type3A_239 = arith.truncf %tanh3A_238 : vector<256x256xf32> to vector<256x256xbf16>
    %mul3A_240 = arith.mulf %add3A_232, %convert_element_type3A_239 : vector<256x256xbf16>
    %swap3A_241 = arith.constant 256 : index
    %swap3A_242 = arith.constant 0 : index
    %swap3A_243 = vector.load %arg10[%swap3A_241, %swap3A_242] : memref<1024x256xbf16, #tpu.memory_space<vmem>>, vector<256x256xbf16>
    tpu.vector_store %arg10[%swap3A_241, %swap3A_242], %mul3A_240 {strides = array<i32>} : memref<1024x256xbf16, #tpu.memory_space<vmem>>, vector<256x256xbf16>,
    %swap3A_244 = arith.constant 256 : index
    %swap3A_245 = arith.constant 0 : index
    %swap3A_246 = vector.load %arg11[%swap3A_244, %swap3A_245] : memref<1024x256xf32, #tpu.memory_space<vmem>>, vector<256x256xf32>
    tpu.vector_store %arg11[%swap3A_244, %swap3A_245], %add3A_237 {strides = array<i32>} : memref<1024x256xf32, #tpu.memory_space<vmem>>, vector<256x256xf32>,
    %swap3A_247 = arith.constant 0 : index
    %swap3A_248 = arith.constant 256 : index
    %swap3A_249 = arith.constant 0 : index
    %swap3A_250 = vector.load %arg7[%swap3A_247, %swap3A_248, %swap3A_249] : memref<1x1024x256xbf16, #tpu.memory_space<vmem>>, vector<1x256x256xbf16>
    %swap3A_251 = vector.shape_cast %swap3A_250 : vector<1x256x256xbf16> to vector<256x256xbf16>
    %swap3A_252 = vector.shape_cast %mul3A_240 : vector<256x256xbf16> to vector<1x256x256xbf16>
    tpu.vector_store %arg7[%swap3A_247, %swap3A_248, %swap3A_249], %swap3A_252 {strides = array<i32>} : memref<1x1024x256xbf16, #tpu.memory_space<vmem>>, vector<1x256x256xbf16>,
    %get3A_253 = arith.constant 0 : index
    %get3A_254 = arith.constant 256 : index
    %get3A_255 = arith.constant 0 : index
    %get3A_256 = vector.load %arg2[%get3A_253, %get3A_254, %get3A_255] : memref<1x1024x128xf32, #tpu.memory_space<vmem>>, vector<1x256x128xf32>
    %get3A_257 = vector.shape_cast %get3A_256 : vector<1x256x128xf32> to vector<256x128xf32>
    %get3A_258 = arith.constant 256 : index
    %get3A_259 = arith.constant 0 : index
    %get3A_260 = vector.load %arg12[%get3A_258, %get3A_259] : memref<1024x256xbf16, #tpu.memory_space<vmem>>, vector<256x256xbf16>
    %get3A_261 = arith.constant 256 : index
    %get3A_262 = arith.constant 0 : index
    %get3A_263 = vector.load %arg13[%get3A_261, %get3A_262] : memref<1024x256xf32, #tpu.memory_space<vmem>>, vector<256x256xf32>
    %get3A_264 = arith.constant 0 : index
    %get3A_265 = arith.constant 0 : index
    %get3A_266 = vector.load %arg5[%get3A_264, %get3A_265] : memref<1024x384xbf16, #tpu.memory_space<vmem>>, vector<1024x384xbf16>
    %get3A_267 = arith.constant 0 : index
    %get3A_268 = arith.constant 0 : index
    %get3A_269 = vector.load %arg6[%get3A_267, %get3A_268] : memref<1x1024xbf16, #tpu.memory_space<vmem>>, vector<1x1024xbf16>
    %convert_element_type3A_270 = arith.truncf %get3A_257 : vector<256x128xf32> to vector<256x128xbf16>
    %concatenate3A_271 = tpu.concatenate %convert_element_type3A_270, %get3A_260 in 1 : vector<256x128xbf16>, vector<256x256xbf16> -> vector<256x384xbf16>
    %dot_general3A_272 = arith.constant dense<0.000000e+00> : vector<256x1024xf32>
    %dot_general3A_273 = tpu.matmul %concatenate3A_271, %get3A_266, %dot_general3A_272 {dimension_numbers = #tpu.dot_dimension_numbers<[1], [1], [0], [0], [0, 0, 1, 0], [], []>, transpose_lhs_hint = false} : vector<256x384xbf16>, vector<1024x384xbf16>, vector<256x1024xf32> -> vector<256x1024xf32>
    %convert_element_type3A_274 = arith.truncf %dot_general3A_273 : vector<256x1024xf32> to vector<256x1024xbf16>
    %add3A_275 = vector.broadcast %get3A_269 : vector<1x1024xbf16> to vector<256x1024xbf16>
    %add3A_276 = arith.addf %convert_element_type3A_274, %add3A_275 : vector<256x1024xbf16>
    %slice3A_277 = vector.extract_strided_slice %add3A_276 {offsets = [0, 0], sizes = [256, 256], strides = [1, 1]} : vector<256x1024xbf16> to vector<256x256xbf16>
    %mul3A_278 = arith.constant 5.000000e-01 : bf16
    %mul3A_279 = vector.broadcast %mul3A_278 : bf16 to vector<256x256xbf16>
    %mul3A_280 = arith.mulf %mul3A_279, %slice3A_277 : vector<256x256xbf16>
    %tanh3A_281 = math.tanh %mul3A_280 : vector<256x256xbf16>
    %mul3A_282 = arith.constant 5.000000e-01 : bf16
    %mul3A_283 = vector.broadcast %mul3A_282 : bf16 to vector<256x256xbf16>
    %mul3A_284 = arith.mulf %mul3A_283, %tanh3A_281 : vector<256x256xbf16>
    %add3A_285 = arith.constant 5.000000e-01 : bf16
    %add3A_286 = vector.broadcast %add3A_285 : bf16 to vector<256x256xbf16>
    %add3A_287 = arith.addf %mul3A_284, %add3A_286 : vector<256x256xbf16>
    %slice3A_288 = vector.extract_strided_slice %add3A_276 {offsets = [0, 256], sizes = [256, 256], strides = [1, 1]} : vector<256x1024xbf16> to vector<256x256xbf16>
    %mul3A_289 = arith.constant 5.000000e-01 : bf16
    %mul3A_290 = vector.broadcast %mul3A_289 : bf16 to vector<256x256xbf16>
    %mul3A_291 = arith.mulf %mul3A_290, %slice3A_288 : vector<256x256xbf16>
    %tanh3A_292 = math.tanh %mul3A_291 : vector<256x256xbf16>
    %mul3A_293 = arith.constant 5.000000e-01 : bf16
    %mul3A_294 = vector.broadcast %mul3A_293 : bf16 to vector<256x256xbf16>
    %mul3A_295 = arith.mulf %mul3A_294, %tanh3A_292 : vector<256x256xbf16>
    %add3A_296 = arith.constant 5.000000e-01 : bf16
    %add3A_297 = vector.broadcast %add3A_296 : bf16 to vector<256x256xbf16>
    %add3A_298 = arith.addf %mul3A_295, %add3A_297 : vector<256x256xbf16>
    %slice3A_299 = vector.extract_strided_slice %add3A_276 {offsets = [0, 512], sizes = [256, 256], strides = [1, 1]} : vector<256x1024xbf16> to vector<256x256xbf16>
    %tanh3A_300 = math.tanh %slice3A_299 : vector<256x256xbf16>
    %slice3A_301 = vector.extract_strided_slice %add3A_276 {offsets = [0, 768], sizes = [256, 256], strides = [1, 1]} : vector<256x1024xbf16> to vector<256x256xbf16>
    %mul3A_302 = arith.constant 5.000000e-01 : bf16
    %mul3A_303 = vector.broadcast %mul3A_302 : bf16 to vector<256x256xbf16>
    %mul3A_304 = arith.mulf %mul3A_303, %slice3A_301 : vector<256x256xbf16>
    %tanh3A_305 = math.tanh %mul3A_304 : vector<256x256xbf16>
    %mul3A_306 = arith.constant 5.000000e-01 : bf16
    %mul3A_307 = vector.broadcast %mul3A_306 : bf16 to vector<256x256xbf16>
    %mul3A_308 = arith.mulf %mul3A_307, %tanh3A_305 : vector<256x256xbf16>
    %add3A_309 = arith.constant 5.000000e-01 : bf16
    %add3A_310 = vector.broadcast %add3A_309 : bf16 to vector<256x256xbf16>
    %add3A_311 = arith.addf %mul3A_308, %add3A_310 : vector<256x256xbf16>
    %convert_element_type3A_312 = arith.extf %add3A_298 : vector<256x256xbf16> to vector<256x256xf32>
    %mul3A_313 = arith.mulf %convert_element_type3A_312, %get3A_263 : vector<256x256xf32>
    %mul3A_314 = arith.mulf %add3A_287, %tanh3A_300 : vector<256x256xbf16>
    %convert_element_type3A_315 = arith.extf %mul3A_314 : vector<256x256xbf16> to vector<256x256xf32>
    %add3A_316 = arith.addf %mul3A_313, %convert_element_type3A_315 : vector<256x256xf32>
    %tanh3A_317 = math.tanh %add3A_316 : vector<256x256xf32>
    %convert_element_type3A_318 = arith.truncf %tanh3A_317 : vector<256x256xf32> to vector<256x256xbf16>
    %mul3A_319 = arith.mulf %add3A_311, %convert_element_type3A_318 : vector<256x256xbf16>
    %swap3A_320 = arith.constant 256 : index
    %swap3A_321 = arith.constant 0 : index
    %swap3A_322 = vector.load %arg12[%swap3A_320, %swap3A_321] : memref<1024x256xbf16, #tpu.memory_space<vmem>>, vector<256x256xbf16>
    tpu.vector_store %arg12[%swap3A_320, %swap3A_321], %mul3A_319 {strides = array<i32>} : memref<1024x256xbf16, #tpu.memory_space<vmem>>, vector<256x256xbf16>,
    %swap3A_323 = arith.constant 256 : index
    %swap3A_324 = arith.constant 0 : index
    %swap3A_325 = vector.load %arg13[%swap3A_323, %swap3A_324] : memref<1024x256xf32, #tpu.memory_space<vmem>>, vector<256x256xf32>
    tpu.vector_store %arg13[%swap3A_323, %swap3A_324], %add3A_316 {strides = array<i32>} : memref<1024x256xf32, #tpu.memory_space<vmem>>, vector<256x256xf32>,
    %swap3A_326 = arith.constant 0 : index
    %swap3A_327 = arith.constant 256 : index
    %swap3A_328 = arith.constant 0 : index
    %swap3A_329 = vector.load %arg8[%swap3A_326, %swap3A_327, %swap3A_328] : memref<1x1024x256xbf16, #tpu.memory_space<vmem>>, vector<1x256x256xbf16>
    %swap3A_330 = vector.shape_cast %swap3A_329 : vector<1x256x256xbf16> to vector<256x256xbf16>
    %swap3A_331 = vector.shape_cast %mul3A_319 : vector<256x256xbf16> to vector<1x256x256xbf16>
    tpu.vector_store %arg8[%swap3A_326, %swap3A_327, %swap3A_328], %swap3A_331 {strides = array<i32>} : memref<1x1024x256xbf16, #tpu.memory_space<vmem>>, vector<1x256x256xbf16>,
    %get3A_332 = arith.constant 256 : index
    %get3A_333 = arith.constant 0 : index
    %get3A_334 = vector.load %arg9[%get3A_332, %get3A_333] : memref<1024x512xf32, #tpu.memory_space<vmem>>, vector<256x256xf32>
    %convert_element_type3A_335 = arith.extf %mul3A_240 : vector<256x256xbf16> to vector<256x256xf32>
    %mul3A_336 = arith.constant 2.000000e-02 : f32
    %mul3A_337 = vector.broadcast %mul3A_336 : f32 to vector<256x256xf32>
    %mul3A_338 = arith.mulf %convert_element_type3A_335, %mul3A_337 : vector<256x256xf32>
    %add3A_339 = arith.addf %get3A_334, %mul3A_338 : vector<256x256xf32>
    %swap3A_340 = arith.constant 256 : index
    %swap3A_341 = arith.constant 0 : index
    %swap3A_342 = vector.load %arg9[%swap3A_340, %swap3A_341] : memref<1024x512xf32, #tpu.memory_space<vmem>>, vector<256x256xf32>
    tpu.vector_store %arg9[%swap3A_340, %swap3A_341], %add3A_339 {strides = array<i32>} : memref<1024x512xf32, #tpu.memory_space<vmem>>, vector<256x256xf32>,
    %get3A_343 = arith.constant 256 : index
    %get3A_344 = arith.constant 256 : index
    %get3A_345 = vector.load %arg9[%get3A_343, %get3A_344] : memref<1024x512xf32, #tpu.memory_space<vmem>>, vector<256x256xf32>
    %convert_element_type3A_346 = arith.extf %mul3A_319 : vector<256x256xbf16> to vector<256x256xf32>
    %mul3A_347 = arith.constant 2.000000e-02 : f32
    %mul3A_348 = vector.broadcast %mul3A_347 : f32 to vector<256x256xf32>
    %mul3A_349 = arith.mulf %convert_element_type3A_346, %mul3A_348 : vector<256x256xf32>
    %add3A_350 = arith.addf %get3A_345, %mul3A_349 : vector<256x256xf32>
    %swap3A_351 = arith.constant 256 : index
    %swap3A_352 = arith.constant 256 : index
    %swap3A_353 = vector.load %arg9[%swap3A_351, %swap3A_352] : memref<1024x512xf32, #tpu.memory_space<vmem>>, vector<256x256xf32>
    tpu.vector_store %arg9[%swap3A_351, %swap3A_352], %add3A_350 {strides = array<i32>} : memref<1024x512xf32, #tpu.memory_space<vmem>>, vector<256x256xf32>,
    %get3A_354 = arith.constant 0 : index
    %get3A_355 = arith.constant 512 : index
    %get3A_356 = arith.constant 0 : index
    %get3A_357 = vector.load %arg1[%get3A_354, %get3A_355, %get3A_356] : memref<1x1024x128xf32, #tpu.memory_space<vmem>>, vector<1x256x128xf32>
    %get3A_358 = vector.shape_cast %get3A_357 : vector<1x256x128xf32> to vector<256x128xf32>
    %get3A_359 = arith.constant 512 : index
    %get3A_360 = arith.constant 0 : index
    %get3A_361 = vector.load %arg10[%get3A_359, %get3A_360] : memref<1024x256xbf16, #tpu.memory_space<vmem>>, vector<256x256xbf16>
    %get3A_362 = arith.constant 512 : index
    %get3A_363 = arith.constant 0 : index
    %get3A_364 = vector.load %arg11[%get3A_362, %get3A_363] : memref<1024x256xf32, #tpu.memory_space<vmem>>, vector<256x256xf32>
    %get3A_365 = arith.constant 0 : index
    %get3A_366 = arith.constant 0 : index
    %get3A_367 = vector.load %arg3[%get3A_365, %get3A_366] : memref<1024x384xbf16, #tpu.memory_space<vmem>>, vector<1024x384xbf16>
    %get3A_368 = arith.constant 0 : index
    %get3A_369 = arith.constant 0 : index
    %get3A_370 = vector.load %arg4[%get3A_368, %get3A_369] : memref<1x1024xbf16, #tpu.memory_space<vmem>>, vector<1x1024xbf16>
    %convert_element_type3A_371 = arith.truncf %get3A_358 : vector<256x128xf32> to vector<256x128xbf16>
    %concatenate3A_372 = tpu.concatenate %convert_element_type3A_371, %get3A_361 in 1 : vector<256x128xbf16>, vector<256x256xbf16> -> vector<256x384xbf16>
    %dot_general3A_373 = arith.constant dense<0.000000e+00> : vector<256x1024xf32>
    %dot_general3A_374 = tpu.matmul %concatenate3A_372, %get3A_367, %dot_general3A_373 {dimension_numbers = #tpu.dot_dimension_numbers<[1], [1], [0], [0], [0, 0, 1, 0], [], []>, transpose_lhs_hint = false} : vector<256x384xbf16>, vector<1024x384xbf16>, vector<256x1024xf32> -> vector<256x1024xf32>
    %convert_element_type3A_375 = arith.truncf %dot_general3A_374 : vector<256x1024xf32> to vector<256x1024xbf16>
    %add3A_376 = vector.broadcast %get3A_370 : vector<1x1024xbf16> to vector<256x1024xbf16>
    %add3A_377 = arith.addf %convert_element_type3A_375, %add3A_376 : vector<256x1024xbf16>
    %slice3A_378 = vector.extract_strided_slice %add3A_377 {offsets = [0, 0], sizes = [256, 256], strides = [1, 1]} : vector<256x1024xbf16> to vector<256x256xbf16>
    %mul3A_379 = arith.constant 5.000000e-01 : bf16
    %mul3A_380 = vector.broadcast %mul3A_379 : bf16 to vector<256x256xbf16>
    %mul3A_381 = arith.mulf %mul3A_380, %slice3A_378 : vector<256x256xbf16>
    %tanh3A_382 = math.tanh %mul3A_381 : vector<256x256xbf16>
    %mul3A_383 = arith.constant 5.000000e-01 : bf16
    %mul3A_384 = vector.broadcast %mul3A_383 : bf16 to vector<256x256xbf16>
    %mul3A_385 = arith.mulf %mul3A_384, %tanh3A_382 : vector<256x256xbf16>
    %add3A_386 = arith.constant 5.000000e-01 : bf16
    %add3A_387 = vector.broadcast %add3A_386 : bf16 to vector<256x256xbf16>
    %add3A_388 = arith.addf %mul3A_385, %add3A_387 : vector<256x256xbf16>
    %slice3A_389 = vector.extract_strided_slice %add3A_377 {offsets = [0, 256], sizes = [256, 256], strides = [1, 1]} : vector<256x1024xbf16> to vector<256x256xbf16>
    %mul3A_390 = arith.constant 5.000000e-01 : bf16
    %mul3A_391 = vector.broadcast %mul3A_390 : bf16 to vector<256x256xbf16>
    %mul3A_392 = arith.mulf %mul3A_391, %slice3A_389 : vector<256x256xbf16>
    %tanh3A_393 = math.tanh %mul3A_392 : vector<256x256xbf16>
    %mul3A_394 = arith.constant 5.000000e-01 : bf16
    %mul3A_395 = vector.broadcast %mul3A_394 : bf16 to vector<256x256xbf16>
    %mul3A_396 = arith.mulf %mul3A_395, %tanh3A_393 : vector<256x256xbf16>
    %add3A_397 = arith.constant 5.000000e-01 : bf16
    %add3A_398 = vector.broadcast %add3A_397 : bf16 to vector<256x256xbf16>
    %add3A_399 = arith.addf %mul3A_396, %add3A_398 : vector<256x256xbf16>
    %slice3A_400 = vector.extract_strided_slice %add3A_377 {offsets = [0, 512], sizes = [256, 256], strides = [1, 1]} : vector<256x1024xbf16> to vector<256x256xbf16>
    %tanh3A_401 = math.tanh %slice3A_400 : vector<256x256xbf16>
    %slice3A_402 = vector.extract_strided_slice %add3A_377 {offsets = [0, 768], sizes = [256, 256], strides = [1, 1]} : vector<256x1024xbf16> to vector<256x256xbf16>
    %mul3A_403 = arith.constant 5.000000e-01 : bf16
    %mul3A_404 = vector.broadcast %mul3A_403 : bf16 to vector<256x256xbf16>
    %mul3A_405 = arith.mulf %mul3A_404, %slice3A_402 : vector<256x256xbf16>
    %tanh3A_406 = math.tanh %mul3A_405 : vector<256x256xbf16>
    %mul3A_407 = arith.constant 5.000000e-01 : bf16
    %mul3A_408 = vector.broadcast %mul3A_407 : bf16 to vector<256x256xbf16>
    %mul3A_409 = arith.mulf %mul3A_408, %tanh3A_406 : vector<256x256xbf16>
    %add3A_410 = arith.constant 5.000000e-01 : bf16
    %add3A_411 = vector.broadcast %add3A_410 : bf16 to vector<256x256xbf16>
    %add3A_412 = arith.addf %mul3A_409, %add3A_411 : vector<256x256xbf16>
    %convert_element_type3A_413 = arith.extf %add3A_399 : vector<256x256xbf16> to vector<256x256xf32>
    %mul3A_414 = arith.mulf %convert_element_type3A_413, %get3A_364 : vector<256x256xf32>
    %mul3A_415 = arith.mulf %add3A_388, %tanh3A_401 : vector<256x256xbf16>
    %convert_element_type3A_416 = arith.extf %mul3A_415 : vector<256x256xbf16> to vector<256x256xf32>
    %add3A_417 = arith.addf %mul3A_414, %convert_element_type3A_416 : vector<256x256xf32>
    %tanh3A_418 = math.tanh %add3A_417 : vector<256x256xf32>
    %convert_element_type3A_419 = arith.truncf %tanh3A_418 : vector<256x256xf32> to vector<256x256xbf16>
    %mul3A_420 = arith.mulf %add3A_412, %convert_element_type3A_419 : vector<256x256xbf16>
    %swap3A_421 = arith.constant 512 : index
    %swap3A_422 = arith.constant 0 : index
    %swap3A_423 = vector.load %arg10[%swap3A_421, %swap3A_422] : memref<1024x256xbf16, #tpu.memory_space<vmem>>, vector<256x256xbf16>
    tpu.vector_store %arg10[%swap3A_421, %swap3A_422], %mul3A_420 {strides = array<i32>} : memref<1024x256xbf16, #tpu.memory_space<vmem>>, vector<256x256xbf16>,
    %swap3A_424 = arith.constant 512 : index
    %swap3A_425 = arith.constant 0 : index
    %swap3A_426 = vector.load %arg11[%swap3A_424, %swap3A_425] : memref<1024x256xf32, #tpu.memory_space<vmem>>, vector<256x256xf32>
    tpu.vector_store %arg11[%swap3A_424, %swap3A_425], %add3A_417 {strides = array<i32>} : memref<1024x256xf32, #tpu.memory_space<vmem>>, vector<256x256xf32>,
    %swap3A_427 = arith.constant 0 : index
    %swap3A_428 = arith.constant 512 : index
    %swap3A_429 = arith.constant 0 : index
    %swap3A_430 = vector.load %arg7[%swap3A_427, %swap3A_428, %swap3A_429] : memref<1x1024x256xbf16, #tpu.memory_space<vmem>>, vector<1x256x256xbf16>
    %swap3A_431 = vector.shape_cast %swap3A_430 : vector<1x256x256xbf16> to vector<256x256xbf16>
    %swap3A_432 = vector.shape_cast %mul3A_420 : vector<256x256xbf16> to vector<1x256x256xbf16>
    tpu.vector_store %arg7[%swap3A_427, %swap3A_428, %swap3A_429], %swap3A_432 {strides = array<i32>} : memref<1x1024x256xbf16, #tpu.memory_space<vmem>>, vector<1x256x256xbf16>,
    %get3A_433 = arith.constant 0 : index
    %get3A_434 = arith.constant 512 : index
    %get3A_435 = arith.constant 0 : index
    %get3A_436 = vector.load %arg2[%get3A_433, %get3A_434, %get3A_435] : memref<1x1024x128xf32, #tpu.memory_space<vmem>>, vector<1x256x128xf32>
    %get3A_437 = vector.shape_cast %get3A_436 : vector<1x256x128xf32> to vector<256x128xf32>
    %get3A_438 = arith.constant 512 : index
    %get3A_439 = arith.constant 0 : index
    %get3A_440 = vector.load %arg12[%get3A_438, %get3A_439] : memref<1024x256xbf16, #tpu.memory_space<vmem>>, vector<256x256xbf16>
    %get3A_441 = arith.constant 512 : index
    %get3A_442 = arith.constant 0 : index
    %get3A_443 = vector.load %arg13[%get3A_441, %get3A_442] : memref<1024x256xf32, #tpu.memory_space<vmem>>, vector<256x256xf32>
    %get3A_444 = arith.constant 0 : index
    %get3A_445 = arith.constant 0 : index
    %get3A_446 = vector.load %arg5[%get3A_444, %get3A_445] : memref<1024x384xbf16, #tpu.memory_space<vmem>>, vector<1024x384xbf16>
    %get3A_447 = arith.constant 0 : index
    %get3A_448 = arith.constant 0 : index
    %get3A_449 = vector.load %arg6[%get3A_447, %get3A_448] : memref<1x1024xbf16, #tpu.memory_space<vmem>>, vector<1x1024xbf16>
    %convert_element_type3A_450 = arith.truncf %get3A_437 : vector<256x128xf32> to vector<256x128xbf16>
    %concatenate3A_451 = tpu.concatenate %convert_element_type3A_450, %get3A_440 in 1 : vector<256x128xbf16>, vector<256x256xbf16> -> vector<256x384xbf16>
    %dot_general3A_452 = arith.constant dense<0.000000e+00> : vector<256x1024xf32>
    %dot_general3A_453 = tpu.matmul %concatenate3A_451, %get3A_446, %dot_general3A_452 {dimension_numbers = #tpu.dot_dimension_numbers<[1], [1], [0], [0], [0, 0, 1, 0], [], []>, transpose_lhs_hint = false} : vector<256x384xbf16>, vector<1024x384xbf16>, vector<256x1024xf32> -> vector<256x1024xf32>
    %convert_element_type3A_454 = arith.truncf %dot_general3A_453 : vector<256x1024xf32> to vector<256x1024xbf16>
    %add3A_455 = vector.broadcast %get3A_449 : vector<1x1024xbf16> to vector<256x1024xbf16>
    %add3A_456 = arith.addf %convert_element_type3A_454, %add3A_455 : vector<256x1024xbf16>
    %slice3A_457 = vector.extract_strided_slice %add3A_456 {offsets = [0, 0], sizes = [256, 256], strides = [1, 1]} : vector<256x1024xbf16> to vector<256x256xbf16>
    %mul3A_458 = arith.constant 5.000000e-01 : bf16
    %mul3A_459 = vector.broadcast %mul3A_458 : bf16 to vector<256x256xbf16>
    %mul3A_460 = arith.mulf %mul3A_459, %slice3A_457 : vector<256x256xbf16>
    %tanh3A_461 = math.tanh %mul3A_460 : vector<256x256xbf16>
    %mul3A_462 = arith.constant 5.000000e-01 : bf16
    %mul3A_463 = vector.broadcast %mul3A_462 : bf16 to vector<256x256xbf16>
    %mul3A_464 = arith.mulf %mul3A_463, %tanh3A_461 : vector<256x256xbf16>
    %add3A_465 = arith.constant 5.000000e-01 : bf16
    %add3A_466 = vector.broadcast %add3A_465 : bf16 to vector<256x256xbf16>
    %add3A_467 = arith.addf %mul3A_464, %add3A_466 : vector<256x256xbf16>
    %slice3A_468 = vector.extract_strided_slice %add3A_456 {offsets = [0, 256], sizes = [256, 256], strides = [1, 1]} : vector<256x1024xbf16> to vector<256x256xbf16>
    %mul3A_469 = arith.constant 5.000000e-01 : bf16
    %mul3A_470 = vector.broadcast %mul3A_469 : bf16 to vector<256x256xbf16>
    %mul3A_471 = arith.mulf %mul3A_470, %slice3A_468 : vector<256x256xbf16>
    %tanh3A_472 = math.tanh %mul3A_471 : vector<256x256xbf16>
    %mul3A_473 = arith.constant 5.000000e-01 : bf16
    %mul3A_474 = vector.broadcast %mul3A_473 : bf16 to vector<256x256xbf16>
    %mul3A_475 = arith.mulf %mul3A_474, %tanh3A_472 : vector<256x256xbf16>
    %add3A_476 = arith.constant 5.000000e-01 : bf16
    %add3A_477 = vector.broadcast %add3A_476 : bf16 to vector<256x256xbf16>
    %add3A_478 = arith.addf %mul3A_475, %add3A_477 : vector<256x256xbf16>
    %slice3A_479 = vector.extract_strided_slice %add3A_456 {offsets = [0, 512], sizes = [256, 256], strides = [1, 1]} : vector<256x1024xbf16> to vector<256x256xbf16>
    %tanh3A_480 = math.tanh %slice3A_479 : vector<256x256xbf16>
    %slice3A_481 = vector.extract_strided_slice %add3A_456 {offsets = [0, 768], sizes = [256, 256], strides = [1, 1]} : vector<256x1024xbf16> to vector<256x256xbf16>
    %mul3A_482 = arith.constant 5.000000e-01 : bf16
    %mul3A_483 = vector.broadcast %mul3A_482 : bf16 to vector<256x256xbf16>
    %mul3A_484 = arith.mulf %mul3A_483, %slice3A_481 : vector<256x256xbf16>
    %tanh3A_485 = math.tanh %mul3A_484 : vector<256x256xbf16>
    %mul3A_486 = arith.constant 5.000000e-01 : bf16
    %mul3A_487 = vector.broadcast %mul3A_486 : bf16 to vector<256x256xbf16>
    %mul3A_488 = arith.mulf %mul3A_487, %tanh3A_485 : vector<256x256xbf16>
    %add3A_489 = arith.constant 5.000000e-01 : bf16
    %add3A_490 = vector.broadcast %add3A_489 : bf16 to vector<256x256xbf16>
    %add3A_491 = arith.addf %mul3A_488, %add3A_490 : vector<256x256xbf16>
    %convert_element_type3A_492 = arith.extf %add3A_478 : vector<256x256xbf16> to vector<256x256xf32>
    %mul3A_493 = arith.mulf %convert_element_type3A_492, %get3A_443 : vector<256x256xf32>
    %mul3A_494 = arith.mulf %add3A_467, %tanh3A_480 : vector<256x256xbf16>
    %convert_element_type3A_495 = arith.extf %mul3A_494 : vector<256x256xbf16> to vector<256x256xf32>
    %add3A_496 = arith.addf %mul3A_493, %convert_element_type3A_495 : vector<256x256xf32>
    %tanh3A_497 = math.tanh %add3A_496 : vector<256x256xf32>
    %convert_element_type3A_498 = arith.truncf %tanh3A_497 : vector<256x256xf32> to vector<256x256xbf16>
    %mul3A_499 = arith.mulf %add3A_491, %convert_element_type3A_498 : vector<256x256xbf16>
    %swap3A_500 = arith.constant 512 : index
    %swap3A_501 = arith.constant 0 : index
    %swap3A_502 = vector.load %arg12[%swap3A_500, %swap3A_501] : memref<1024x256xbf16, #tpu.memory_space<vmem>>, vector<256x256xbf16>
    tpu.vector_store %arg12[%swap3A_500, %swap3A_501], %mul3A_499 {strides = array<i32>} : memref<1024x256xbf16, #tpu.memory_space<vmem>>, vector<256x256xbf16>,
    %swap3A_503 = arith.constant 512 : index
    %swap3A_504 = arith.constant 0 : index
    %swap3A_505 = vector.load %arg13[%swap3A_503, %swap3A_504] : memref<1024x256xf32, #tpu.memory_space<vmem>>, vector<256x256xf32>
    tpu.vector_store %arg13[%swap3A_503, %swap3A_504], %add3A_496 {strides = array<i32>} : memref<1024x256xf32, #tpu.memory_space<vmem>>, vector<256x256xf32>,
    %swap3A_506 = arith.constant 0 : index
    %swap3A_507 = arith.constant 512 : index
    %swap3A_508 = arith.constant 0 : index
    %swap3A_509 = vector.load %arg8[%swap3A_506, %swap3A_507, %swap3A_508] : memref<1x1024x256xbf16, #tpu.memory_space<vmem>>, vector<1x256x256xbf16>
    %swap3A_510 = vector.shape_cast %swap3A_509 : vector<1x256x256xbf16> to vector<256x256xbf16>
    %swap3A_511 = vector.shape_cast %mul3A_499 : vector<256x256xbf16> to vector<1x256x256xbf16>
    tpu.vector_store %arg8[%swap3A_506, %swap3A_507, %swap3A_508], %swap3A_511 {strides = array<i32>} : memref<1x1024x256xbf16, #tpu.memory_space<vmem>>, vector<1x256x256xbf16>,
    %get3A_512 = arith.constant 512 : index
    %get3A_513 = arith.constant 0 : index
    %get3A_514 = vector.load %arg9[%get3A_512, %get3A_513] : memref<1024x512xf32, #tpu.memory_space<vmem>>, vector<256x256xf32>
    %convert_element_type3A_515 = arith.extf %mul3A_420 : vector<256x256xbf16> to vector<256x256xf32>
    %mul3A_516 = arith.constant 2.000000e-02 : f32
    %mul3A_517 = vector.broadcast %mul3A_516 : f32 to vector<256x256xf32>
    %mul3A_518 = arith.mulf %convert_element_type3A_515, %mul3A_517 : vector<256x256xf32>
    %add3A_519 = arith.addf %get3A_514, %mul3A_518 : vector<256x256xf32>
    %swap3A_520 = arith.constant 512 : index
    %swap3A_521 = arith.constant 0 : index
    %swap3A_522 = vector.load %arg9[%swap3A_520, %swap3A_521] : memref<1024x512xf32, #tpu.memory_space<vmem>>, vector<256x256xf32>
    tpu.vector_store %arg9[%swap3A_520, %swap3A_521], %add3A_519 {strides = array<i32>} : memref<1024x512xf32, #tpu.memory_space<vmem>>, vector<256x256xf32>,
    %get3A_523 = arith.constant 512 : index
    %get3A_524 = arith.constant 256 : index
    %get3A_525 = vector.load %arg9[%get3A_523, %get3A_524] : memref<1024x512xf32, #tpu.memory_space<vmem>>, vector<256x256xf32>
    %convert_element_type3A_526 = arith.extf %mul3A_499 : vector<256x256xbf16> to vector<256x256xf32>
    %mul3A_527 = arith.constant 2.000000e-02 : f32
    %mul3A_528 = vector.broadcast %mul3A_527 : f32 to vector<256x256xf32>
    %mul3A_529 = arith.mulf %convert_element_type3A_526, %mul3A_528 : vector<256x256xf32>
    %add3A_530 = arith.addf %get3A_525, %mul3A_529 : vector<256x256xf32>
    %swap3A_531 = arith.constant 512 : index
    %swap3A_532 = arith.constant 256 : index
    %swap3A_533 = vector.load %arg9[%swap3A_531, %swap3A_532] : memref<1024x512xf32, #tpu.memory_space<vmem>>, vector<256x256xf32>
    tpu.vector_store %arg9[%swap3A_531, %swap3A_532], %add3A_530 {strides = array<i32>} : memref<1024x512xf32, #tpu.memory_space<vmem>>, vector<256x256xf32>,
    %get3A_534 = arith.constant 0 : index
    %get3A_535 = arith.constant 768 : index
    %get3A_536 = arith.constant 0 : index
    %get3A_537 = vector.load %arg1[%get3A_534, %get3A_535, %get3A_536] : memref<1x1024x128xf32, #tpu.memory_space<vmem>>, vector<1x256x128xf32>
    %get3A_538 = vector.shape_cast %get3A_537 : vector<1x256x128xf32> to vector<256x128xf32>
    %get3A_539 = arith.constant 768 : index
    %get3A_540 = arith.constant 0 : index
    %get3A_541 = vector.load %arg10[%get3A_539, %get3A_540] : memref<1024x256xbf16, #tpu.memory_space<vmem>>, vector<256x256xbf16>
    %get3A_542 = arith.constant 768 : index
    %get3A_543 = arith.constant 0 : index
    %get3A_544 = vector.load %arg11[%get3A_542, %get3A_543] : memref<1024x256xf32, #tpu.memory_space<vmem>>, vector<256x256xf32>
    %get3A_545 = arith.constant 0 : index
    %get3A_546 = arith.constant 0 : index
    %get3A_547 = vector.load %arg3[%get3A_545, %get3A_546] : memref<1024x384xbf16, #tpu.memory_space<vmem>>, vector<1024x384xbf16>
    %get3A_548 = arith.constant 0 : index
    %get3A_549 = arith.constant 0 : index
    %get3A_550 = vector.load %arg4[%get3A_548, %get3A_549] : memref<1x1024xbf16, #tpu.memory_space<vmem>>, vector<1x1024xbf16>
    %convert_element_type3A_551 = arith.truncf %get3A_538 : vector<256x128xf32> to vector<256x128xbf16>
    %concatenate3A_552 = tpu.concatenate %convert_element_type3A_551, %get3A_541 in 1 : vector<256x128xbf16>, vector<256x256xbf16> -> vector<256x384xbf16>
    %dot_general3A_553 = arith.constant dense<0.000000e+00> : vector<256x1024xf32>
    %dot_general3A_554 = tpu.matmul %concatenate3A_552, %get3A_547, %dot_general3A_553 {dimension_numbers = #tpu.dot_dimension_numbers<[1], [1], [0], [0], [0, 0, 1, 0], [], []>, transpose_lhs_hint = false} : vector<256x384xbf16>, vector<1024x384xbf16>, vector<256x1024xf32> -> vector<256x1024xf32>
    %convert_element_type3A_555 = arith.truncf %dot_general3A_554 : vector<256x1024xf32> to vector<256x1024xbf16>
    %add3A_556 = vector.broadcast %get3A_550 : vector<1x1024xbf16> to vector<256x1024xbf16>
    %add3A_557 = arith.addf %convert_element_type3A_555, %add3A_556 : vector<256x1024xbf16>
    %slice3A_558 = vector.extract_strided_slice %add3A_557 {offsets = [0, 0], sizes = [256, 256], strides = [1, 1]} : vector<256x1024xbf16> to vector<256x256xbf16>
    %mul3A_559 = arith.constant 5.000000e-01 : bf16
    %mul3A_560 = vector.broadcast %mul3A_559 : bf16 to vector<256x256xbf16>
    %mul3A_561 = arith.mulf %mul3A_560, %slice3A_558 : vector<256x256xbf16>
    %tanh3A_562 = math.tanh %mul3A_561 : vector<256x256xbf16>
    %mul3A_563 = arith.constant 5.000000e-01 : bf16
    %mul3A_564 = vector.broadcast %mul3A_563 : bf16 to vector<256x256xbf16>
    %mul3A_565 = arith.mulf %mul3A_564, %tanh3A_562 : vector<256x256xbf16>
    %add3A_566 = arith.constant 5.000000e-01 : bf16
    %add3A_567 = vector.broadcast %add3A_566 : bf16 to vector<256x256xbf16>
    %add3A_568 = arith.addf %mul3A_565, %add3A_567 : vector<256x256xbf16>
    %slice3A_569 = vector.extract_strided_slice %add3A_557 {offsets = [0, 256], sizes = [256, 256], strides = [1, 1]} : vector<256x1024xbf16> to vector<256x256xbf16>
    %mul3A_570 = arith.constant 5.000000e-01 : bf16
    %mul3A_571 = vector.broadcast %mul3A_570 : bf16 to vector<256x256xbf16>
    %mul3A_572 = arith.mulf %mul3A_571, %slice3A_569 : vector<256x256xbf16>
    %tanh3A_573 = math.tanh %mul3A_572 : vector<256x256xbf16>
    %mul3A_574 = arith.constant 5.000000e-01 : bf16
    %mul3A_575 = vector.broadcast %mul3A_574 : bf16 to vector<256x256xbf16>
    %mul3A_576 = arith.mulf %mul3A_575, %tanh3A_573 : vector<256x256xbf16>
    %add3A_577 = arith.constant 5.000000e-01 : bf16
    %add3A_578 = vector.broadcast %add3A_577 : bf16 to vector<256x256xbf16>
    %add3A_579 = arith.addf %mul3A_576, %add3A_578 : vector<256x256xbf16>
    %slice3A_580 = vector.extract_strided_slice %add3A_557 {offsets = [0, 512], sizes = [256, 256], strides = [1, 1]} : vector<256x1024xbf16> to vector<256x256xbf16>
    %tanh3A_581 = math.tanh %slice3A_580 : vector<256x256xbf16>
    %slice3A_582 = vector.extract_strided_slice %add3A_557 {offsets = [0, 768], sizes = [256, 256], strides = [1, 1]} : vector<256x1024xbf16> to vector<256x256xbf16>
    %mul3A_583 = arith.constant 5.000000e-01 : bf16
    %mul3A_584 = vector.broadcast %mul3A_583 : bf16 to vector<256x256xbf16>
    %mul3A_585 = arith.mulf %mul3A_584, %slice3A_582 : vector<256x256xbf16>
    %tanh3A_586 = math.tanh %mul3A_585 : vector<256x256xbf16>
    %mul3A_587 = arith.constant 5.000000e-01 : bf16
    %mul3A_588 = vector.broadcast %mul3A_587 : bf16 to vector<256x256xbf16>
    %mul3A_589 = arith.mulf %mul3A_588, %tanh3A_586 : vector<256x256xbf16>
    %add3A_590 = arith.constant 5.000000e-01 : bf16
    %add3A_591 = vector.broadcast %add3A_590 : bf16 to vector<256x256xbf16>
    %add3A_592 = arith.addf %mul3A_589, %add3A_591 : vector<256x256xbf16>
    %convert_element_type3A_593 = arith.extf %add3A_579 : vector<256x256xbf16> to vector<256x256xf32>
    %mul3A_594 = arith.mulf %convert_element_type3A_593, %get3A_544 : vector<256x256xf32>
    %mul3A_595 = arith.mulf %add3A_568, %tanh3A_581 : vector<256x256xbf16>
    %convert_element_type3A_596 = arith.extf %mul3A_595 : vector<256x256xbf16> to vector<256x256xf32>
    %add3A_597 = arith.addf %mul3A_594, %convert_element_type3A_596 : vector<256x256xf32>
    %tanh3A_598 = math.tanh %add3A_597 : vector<256x256xf32>
    %convert_element_type3A_599 = arith.truncf %tanh3A_598 : vector<256x256xf32> to vector<256x256xbf16>
    %mul3A_600 = arith.mulf %add3A_592, %convert_element_type3A_599 : vector<256x256xbf16>
    %swap3A_601 = arith.constant 768 : index
    %swap3A_602 = arith.constant 0 : index
    %swap3A_603 = vector.load %arg10[%swap3A_601, %swap3A_602] : memref<1024x256xbf16, #tpu.memory_space<vmem>>, vector<256x256xbf16>
    tpu.vector_store %arg10[%swap3A_601, %swap3A_602], %mul3A_600 {strides = array<i32>} : memref<1024x256xbf16, #tpu.memory_space<vmem>>, vector<256x256xbf16>,
    %swap3A_604 = arith.constant 768 : index
    %swap3A_605 = arith.constant 0 : index
    %swap3A_606 = vector.load %arg11[%swap3A_604, %swap3A_605] : memref<1024x256xf32, #tpu.memory_space<vmem>>, vector<256x256xf32>
    tpu.vector_store %arg11[%swap3A_604, %swap3A_605], %add3A_597 {strides = array<i32>} : memref<1024x256xf32, #tpu.memory_space<vmem>>, vector<256x256xf32>,
    %swap3A_607 = arith.constant 0 : index
    %swap3A_608 = arith.constant 768 : index
    %swap3A_609 = arith.constant 0 : index
    %swap3A_610 = vector.load %arg7[%swap3A_607, %swap3A_608, %swap3A_609] : memref<1x1024x256xbf16, #tpu.memory_space<vmem>>, vector<1x256x256xbf16>
    %swap3A_611 = vector.shape_cast %swap3A_610 : vector<1x256x256xbf16> to vector<256x256xbf16>
    %swap3A_612 = vector.shape_cast %mul3A_600 : vector<256x256xbf16> to vector<1x256x256xbf16>
    tpu.vector_store %arg7[%swap3A_607, %swap3A_608, %swap3A_609], %swap3A_612 {strides = array<i32>} : memref<1x1024x256xbf16, #tpu.memory_space<vmem>>, vector<1x256x256xbf16>,
    %get3A_613 = arith.constant 0 : index
    %get3A_614 = arith.constant 768 : index
    %get3A_615 = arith.constant 0 : index
    %get3A_616 = vector.load %arg2[%get3A_613, %get3A_614, %get3A_615] : memref<1x1024x128xf32, #tpu.memory_space<vmem>>, vector<1x256x128xf32>
    %get3A_617 = vector.shape_cast %get3A_616 : vector<1x256x128xf32> to vector<256x128xf32>
    %get3A_618 = arith.constant 768 : index
    %get3A_619 = arith.constant 0 : index
    %get3A_620 = vector.load %arg12[%get3A_618, %get3A_619] : memref<1024x256xbf16, #tpu.memory_space<vmem>>, vector<256x256xbf16>
    %get3A_621 = arith.constant 768 : index
    %get3A_622 = arith.constant 0 : index
    %get3A_623 = vector.load %arg13[%get3A_621, %get3A_622] : memref<1024x256xf32, #tpu.memory_space<vmem>>, vector<256x256xf32>
    %get3A_624 = arith.constant 0 : index
    %get3A_625 = arith.constant 0 : index
    %get3A_626 = vector.load %arg5[%get3A_624, %get3A_625] : memref<1024x384xbf16, #tpu.memory_space<vmem>>, vector<1024x384xbf16>
    %get3A_627 = arith.constant 0 : index
    %get3A_628 = arith.constant 0 : index
    %get3A_629 = vector.load %arg6[%get3A_627, %get3A_628] : memref<1x1024xbf16, #tpu.memory_space<vmem>>, vector<1x1024xbf16>
    %convert_element_type3A_630 = arith.truncf %get3A_617 : vector<256x128xf32> to vector<256x128xbf16>
    %concatenate3A_631 = tpu.concatenate %convert_element_type3A_630, %get3A_620 in 1 : vector<256x128xbf16>, vector<256x256xbf16> -> vector<256x384xbf16>
    %dot_general3A_632 = arith.constant dense<0.000000e+00> : vector<256x1024xf32>
    %dot_general3A_633 = tpu.matmul %concatenate3A_631, %get3A_626, %dot_general3A_632 {dimension_numbers = #tpu.dot_dimension_numbers<[1], [1], [0], [0], [0, 0, 1, 0], [], []>, transpose_lhs_hint = false} : vector<256x384xbf16>, vector<1024x384xbf16>, vector<256x1024xf32> -> vector<256x1024xf32>
    %convert_element_type3A_634 = arith.truncf %dot_general3A_633 : vector<256x1024xf32> to vector<256x1024xbf16>
    %add3A_635 = vector.broadcast %get3A_629 : vector<1x1024xbf16> to vector<256x1024xbf16>
    %add3A_636 = arith.addf %convert_element_type3A_634, %add3A_635 : vector<256x1024xbf16>
    %slice3A_637 = vector.extract_strided_slice %add3A_636 {offsets = [0, 0], sizes = [256, 256], strides = [1, 1]} : vector<256x1024xbf16> to vector<256x256xbf16>
    %mul3A_638 = arith.constant 5.000000e-01 : bf16
    %mul3A_639 = vector.broadcast %mul3A_638 : bf16 to vector<256x256xbf16>
    %mul3A_640 = arith.mulf %mul3A_639, %slice3A_637 : vector<256x256xbf16>
    %tanh3A_641 = math.tanh %mul3A_640 : vector<256x256xbf16>
    %mul3A_642 = arith.constant 5.000000e-01 : bf16
    %mul3A_643 = vector.broadcast %mul3A_642 : bf16 to vector<256x256xbf16>
    %mul3A_644 = arith.mulf %mul3A_643, %tanh3A_641 : vector<256x256xbf16>
    %add3A_645 = arith.constant 5.000000e-01 : bf16
    %add3A_646 = vector.broadcast %add3A_645 : bf16 to vector<256x256xbf16>
    %add3A_647 = arith.addf %mul3A_644, %add3A_646 : vector<256x256xbf16>
    %slice3A_648 = vector.extract_strided_slice %add3A_636 {offsets = [0, 256], sizes = [256, 256], strides = [1, 1]} : vector<256x1024xbf16> to vector<256x256xbf16>
    %mul3A_649 = arith.constant 5.000000e-01 : bf16
    %mul3A_650 = vector.broadcast %mul3A_649 : bf16 to vector<256x256xbf16>
    %mul3A_651 = arith.mulf %mul3A_650, %slice3A_648 : vector<256x256xbf16>
    %tanh3A_652 = math.tanh %mul3A_651 : vector<256x256xbf16>
    %mul3A_653 = arith.constant 5.000000e-01 : bf16
    %mul3A_654 = vector.broadcast %mul3A_653 : bf16 to vector<256x256xbf16>
    %mul3A_655 = arith.mulf %mul3A_654, %tanh3A_652 : vector<256x256xbf16>
    %add3A_656 = arith.constant 5.000000e-01 : bf16
    %add3A_657 = vector.broadcast %add3A_656 : bf16 to vector<256x256xbf16>
    %add3A_658 = arith.addf %mul3A_655, %add3A_657 : vector<256x256xbf16>
    %slice3A_659 = vector.extract_strided_slice %add3A_636 {offsets = [0, 512], sizes = [256, 256], strides = [1, 1]} : vector<256x1024xbf16> to vector<256x256xbf16>
    %tanh3A_660 = math.tanh %slice3A_659 : vector<256x256xbf16>
    %slice3A_661 = vector.extract_strided_slice %add3A_636 {offsets = [0, 768], sizes = [256, 256], strides = [1, 1]} : vector<256x1024xbf16> to vector<256x256xbf16>
    %mul3A_662 = arith.constant 5.000000e-01 : bf16
    %mul3A_663 = vector.broadcast %mul3A_662 : bf16 to vector<256x256xbf16>
    %mul3A_664 = arith.mulf %mul3A_663, %slice3A_661 : vector<256x256xbf16>
    %tanh3A_665 = math.tanh %mul3A_664 : vector<256x256xbf16>
    %mul3A_666 = arith.constant 5.000000e-01 : bf16
    %mul3A_667 = vector.broadcast %mul3A_666 : bf16 to vector<256x256xbf16>
    %mul3A_668 = arith.mulf %mul3A_667, %tanh3A_665 : vector<256x256xbf16>
    %add3A_669 = arith.constant 5.000000e-01 : bf16
    %add3A_670 = vector.broadcast %add3A_669 : bf16 to vector<256x256xbf16>
    %add3A_671 = arith.addf %mul3A_668, %add3A_670 : vector<256x256xbf16>
    %convert_element_type3A_672 = arith.extf %add3A_658 : vector<256x256xbf16> to vector<256x256xf32>
    %mul3A_673 = arith.mulf %convert_element_type3A_672, %get3A_623 : vector<256x256xf32>
    %mul3A_674 = arith.mulf %add3A_647, %tanh3A_660 : vector<256x256xbf16>
    %convert_element_type3A_675 = arith.extf %mul3A_674 : vector<256x256xbf16> to vector<256x256xf32>
    %add3A_676 = arith.addf %mul3A_673, %convert_element_type3A_675 : vector<256x256xf32>
    %tanh3A_677 = math.tanh %add3A_676 : vector<256x256xf32>
    %convert_element_type3A_678 = arith.truncf %tanh3A_677 : vector<256x256xf32> to vector<256x256xbf16>
    %mul3A_679 = arith.mulf %add3A_671, %convert_element_type3A_678 : vector<256x256xbf16>
    %swap3A_680 = arith.constant 768 : index
    %swap3A_681 = arith.constant 0 : index
    %swap3A_682 = vector.load %arg12[%swap3A_680, %swap3A_681] : memref<1024x256xbf16, #tpu.memory_space<vmem>>, vector<256x256xbf16>
    tpu.vector_store %arg12[%swap3A_680, %swap3A_681], %mul3A_679 {strides = array<i32>} : memref<1024x256xbf16, #tpu.memory_space<vmem>>, vector<256x256xbf16>,
    %swap3A_683 = arith.constant 768 : index
    %swap3A_684 = arith.constant 0 : index
    %swap3A_685 = vector.load %arg13[%swap3A_683, %swap3A_684] : memref<1024x256xf32, #tpu.memory_space<vmem>>, vector<256x256xf32>
    tpu.vector_store %arg13[%swap3A_683, %swap3A_684], %add3A_676 {strides = array<i32>} : memref<1024x256xf32, #tpu.memory_space<vmem>>, vector<256x256xf32>,
    %swap3A_686 = arith.constant 0 : index
    %swap3A_687 = arith.constant 768 : index
    %swap3A_688 = arith.constant 0 : index
    %swap3A_689 = vector.load %arg8[%swap3A_686, %swap3A_687, %swap3A_688] : memref<1x1024x256xbf16, #tpu.memory_space<vmem>>, vector<1x256x256xbf16>
    %swap3A_690 = vector.shape_cast %swap3A_689 : vector<1x256x256xbf16> to vector<256x256xbf16>
    %swap3A_691 = vector.shape_cast %mul3A_679 : vector<256x256xbf16> to vector<1x256x256xbf16>
    tpu.vector_store %arg8[%swap3A_686, %swap3A_687, %swap3A_688], %swap3A_691 {strides = array<i32>} : memref<1x1024x256xbf16, #tpu.memory_space<vmem>>, vector<1x256x256xbf16>,
    %get3A_692 = arith.constant 768 : index
    %get3A_693 = arith.constant 0 : index
    %get3A_694 = vector.load %arg9[%get3A_692, %get3A_693] : memref<1024x512xf32, #tpu.memory_space<vmem>>, vector<256x256xf32>
    %convert_element_type3A_695 = arith.extf %mul3A_600 : vector<256x256xbf16> to vector<256x256xf32>
    %mul3A_696 = arith.constant 2.000000e-02 : f32
    %mul3A_697 = vector.broadcast %mul3A_696 : f32 to vector<256x256xf32>
    %mul3A_698 = arith.mulf %convert_element_type3A_695, %mul3A_697 : vector<256x256xf32>
    %add3A_699 = arith.addf %get3A_694, %mul3A_698 : vector<256x256xf32>
    %swap3A_700 = arith.constant 768 : index
    %swap3A_701 = arith.constant 0 : index
    %swap3A_702 = vector.load %arg9[%swap3A_700, %swap3A_701] : memref<1024x512xf32, #tpu.memory_space<vmem>>, vector<256x256xf32>
    tpu.vector_store %arg9[%swap3A_700, %swap3A_701], %add3A_699 {strides = array<i32>} : memref<1024x512xf32, #tpu.memory_space<vmem>>, vector<256x256xf32>,
    %get3A_703 = arith.constant 768 : index
    %get3A_704 = arith.constant 256 : index
    %get3A_705 = vector.load %arg9[%get3A_703, %get3A_704] : memref<1024x512xf32, #tpu.memory_space<vmem>>, vector<256x256xf32>
    %convert_element_type3A_706 = arith.extf %mul3A_679 : vector<256x256xbf16> to vector<256x256xf32>
    %mul3A_707 = arith.constant 2.000000e-02 : f32
    %mul3A_708 = vector.broadcast %mul3A_707 : f32 to vector<256x256xf32>
    %mul3A_709 = arith.mulf %convert_element_type3A_706, %mul3A_708 : vector<256x256xf32>
    %add3A_710 = arith.addf %get3A_705, %mul3A_709 : vector<256x256xf32>
    %swap3A_711 = arith.constant 768 : index
    %swap3A_712 = arith.constant 256 : index
    %swap3A_713 = vector.load %arg9[%swap3A_711, %swap3A_712] : memref<1024x512xf32, #tpu.memory_space<vmem>>, vector<256x256xf32>
    tpu.vector_store %arg9[%swap3A_711, %swap3A_712], %add3A_710 {strides = array<i32>} : memref<1024x512xf32, #tpu.memory_space<vmem>>, vector<256x256xf32>,
    return
  }
  func.func @transform_0(%arg0: i32) -> (i32, i32, i32) {
    %c0_i32 = arith.constant 0 : i32
    %c0_i32_0 = arith.constant 0 : i32
    %c0_i32_1 = arith.constant 0 : i32
    return %arg0, %c0_i32, %c0_i32_0 : i32, i32, i32
  }
  func.func @transform_1(%arg0: i32) -> (i32, i32, i32) {
    %sub3A = arith.constant 49 : i32
    %sub3A_0 = arith.subi %sub3A, %arg0 : i32
    %c0_i32 = arith.constant 0 : i32
    %c0_i32_1 = arith.constant 0 : i32
    %c0_i32_2 = arith.constant 0 : i32
    return %sub3A_0, %c0_i32, %c0_i32_1 : i32, i32, i32
  }
  func.func @transform_2(%arg0: i32) -> (i32, i32) {
    %c0_i32 = arith.constant 0 : i32
    %c0_i32_0 = arith.constant 0 : i32
    %c0_i32_1 = arith.constant 0 : i32
    return %c0_i32, %c0_i32_0 : i32, i32
  }
  func.func @transform_3(%arg0: i32) -> (i32, i32) {
    %c0_i32 = arith.constant 0 : i32
    %c0_i32_0 = arith.constant 0 : i32
    %c0_i32_1 = arith.constant 0 : i32
    return %c0_i32, %c0_i32_0 : i32, i32
  }
  func.func @transform_4(%arg0: i32) -> (i32, i32) {
    %c0_i32 = arith.constant 0 : i32
    %c0_i32_0 = arith.constant 0 : i32
    %c0_i32_1 = arith.constant 0 : i32
    return %c0_i32, %c0_i32_0 : i32, i32
  }
  func.func @transform_5(%arg0: i32) -> (i32, i32) {
    %c0_i32 = arith.constant 0 : i32
    %c0_i32_0 = arith.constant 0 : i32
    %c0_i32_1 = arith.constant 0 : i32
    return %c0_i32, %c0_i32_0 : i32, i32
  }
  func.func @transform_6(%arg0: i32) -> (i32, i32, i32) {
    %c0_i32 = arith.constant 0 : i32
    %c0_i32_0 = arith.constant 0 : i32
    %c0_i32_1 = arith.constant 0 : i32
    return %arg0, %c0_i32, %c0_i32_0 : i32, i32, i32
  }
  func.func @transform_7(%arg0: i32) -> (i32, i32, i32) {
    %sub3A = arith.constant 49 : i32
    %sub3A_0 = arith.subi %sub3A, %arg0 : i32
    %c0_i32 = arith.constant 0 : i32
    %c0_i32_1 = arith.constant 0 : i32
    %c0_i32_2 = arith.constant 0 : i32
    return %sub3A_0, %c0_i32, %c0_i32_1 : i32, i32, i32
  }
  func.func @transform_8(%arg0: i32) -> (i32, i32) {
    %c0_i32 = arith.constant 0 : i32
    %c0_i32_0 = arith.constant 0 : i32
    %c0_i32_1 = arith.constant 0 : i32
    return %c0_i32, %c0_i32_0 : i32, i32
  }
}

</mosaic_0001>

<sc_bundles>
// kernel: kernel.4.cloned.1.call-start
scs
__scs_entry_jumppad:
0x0: {  	(pc) =	sbr.rel $0x88, $3  }
0x1: {  	(tag) =	ssettag $0x0;
	lr =	simm.s32 $0x1  }
0x2: {  	[smem:$0x3F97] =	sst lr;
	_ =	strace $0xD0000000  }
0x3: {  	_ = 	snop  }
0x4: {  	_ = 	snop  }
0x5: {  	_ = 	snop  }
0x6: {  	_ = 	snop  }
0x7: {  	_ = 	snop  }
__scs_overlays_trampoline_lowered:
0x8: {  	[smem:$0x3FA6] =	sst s0  }
0x9: {  	[smem:$0x3FA7] =	sst s1  }
0xa: {  	[smem:$0x3FA8] =	sst s2  }
0xb: {  	[smem:$0x3FA9] =	sst s3  }
0xc: {  	[smem:$0x3FAA] =	sst s4  }
0xd: {  	[smem:$0x3FAB] =	sst s5  }
0xe: {  	[smem:$0x3FAC] =	sst s6  }
0xf: {  	[smem:$0x3FAD] =	sst s7  }
0x10: {  	[smem:$0x3FAE] =	sst s8  }
0x11: {  	[smem:$0x3FAF] =	sst s9;
	s0 =	simm.s32 @!p0 $0x0  }
0x12: {  	s1 =	sld [smem:$0x3F95];
	s0 =	simm.s32 @p0 $0x1  }
0x13: {  	[smem:$0x3FB0] =	sst s0;
	s0 =	simm.s32 @!p1 $0x0  }
0x14: {  	s2 =	sld [smem:$0x3F94];
	s0 =	simm.s32 @p1 $0x1  }
0x15: {  	[smem:$0x3FB1] =	sst s0;
	s0 =	simm.s32 @!p2 $0x0  }
0x16: {  	s3 =	sld [smem:$0x3FDB];
	s0 =	simm.s32 @p2 $0x1  }
0x17: {  	s4 =	simm.s32 $0x1BF5;
	[smem:$0x3FB3] =	sst s0  }
0x18: {  	s0 =	sld [smem:$0x3F96];
	_ =	swait.ge [sflag:s4], $0x0  }
0x19: {  	s7 =	sld [smem:$0x3F97]  }
0x1a: {  	s8 =	sadd.s32 $0xFFFFE003, lr  }
0x1b: {  	s9 =	sadd.s32 $0xFFFFFEF7, lr;
	s5 =	simm.s32 $0xFFFFFFFF;
	p2 =	slt.u32 s8, $0xFFFFF086  }
0x1c: {  	p1 =	slt.u32 s9, $0xF7A;
	s5 =	simm.s32 @!p2 $0x0  }
0x1d: {  	s5 =	simm.s32 @p1 $0x1;
	p0 =	seq.s32 s7, s2  }
0x1e: {  	s7 =	smul.u32 @!p0 $0xF7A, s2;
	p2 =	seq.s32 @!p0 s5, $0x0  }
0x1f: {  	s9 =	smul.u32 $0xF7A, s1;
	s8 =	simm.s32 @!p0 $0x1BF5;
	p2 =	por !p2, p0  }
0x20: {  	[sflag:s8] =	ssyncset.s32 @!p0 $0xFFFFF086;
	s6 =	sadd.s32 @!p0 s3, s7;
	s7 =	simm.s32 @!p0 $0x108  }
0x21: {  	s3 =	sadd.s32 s3, s9;
	s6 =	sadd.s32 @!p0 $0x88, s6;
	s7 =	simm.s32 @p2 $0x1082  }
0x22: {  	[simem:s7], [sflag:s8] =	dma.local @!p0 [hbm:s6], $0xF7A  }
0x23: {  	s9 =	sor.u32 $0xD0000000, s2;
	s6 =	simm.s32 $0x108;
	_ =	swait.ge @!p0 [sflag:s8], $0x0  }
0x24: {  	s3 =	sadd.s32 $0x88, s3;
	s6 =	simm.s32 @!p1 $0x1082;
	[sflag:s4] =	ssyncset.s32 $0xFFFFF086  }
0x25: {  	[simem:s6], [sflag:s4] =	dma.local [hbm:s3], $0xF7A  }
0x26: {  	[smem:$0x3F97] =	sst s1;
	(tag) =	ssettag s2;
	_ =	strace s9  }
0x27: {  	s1 =	sld [smem:$0x3FA7]  }
0x28: {  	s2 =	sld [smem:$0x3FA8]  }
0x29: {  	s4 =	sld [smem:$0x3FAA]  }
0x2a: {  	p0 =	seq.s32 s5, $0x0;
	s5 =	sld [smem:$0x3FAB]  }
0x2b: {  	s6 =	sld [smem:$0x3FAC]  }
0x2c: {  	s7 =	sld [smem:$0x3FAD]  }
0x2d: {  	s3 =	simm.s32 $0x108;
	s8 =	sld [smem:$0x3FAE]  }
0x2e: {  	s3 =	simm.s32 @!p0 $0x1082;
	s9 =	sld [smem:$0x3FAF]  }
0x2f: {  	lr =	sadd.s32 s0, s3;
	s0 =	sld [smem:$0x3FA6]  }
0x30: {  	s3 =	sld [smem:$0x3FA9]  }
0x31: {  	[smem:$0x3FB2] =	sst s10  }
0x32: {  	s10 =	sld [smem:$0x3FB0];
	_ =	sdelay $0x3  }
0x33: {  	p0 =	seq.s32 s10, $0x1;
	s10 =	sld [smem:$0x3FB2];
	_ =	sdelay $0x3  }
0x34: {  	[smem:$0x3FB2] =	sst s10  }
0x35: {  	s10 =	sld [smem:$0x3FB1];
	_ =	sdelay $0x3  }
0x36: {  	p1 =	seq.s32 s10, $0x1;
	s10 =	sld [smem:$0x3FB2];
	_ =	sdelay $0x3  }
0x37: {  	[smem:$0x3FB2] =	sst s10  }
0x38: {  	s10 =	sld [smem:$0x3FB3]  }
0x39: {  	_ = 	snop;
	(pc) =	sbr.ind lr, $3  }
0x3a: {  	_ = 	snop  }
0x3b: {  	_ = 	snop  }
0x3c: {  	p2 =	seq.s32 s10, $0x1;
	s10 =	sld [smem:$0x3FB2]  }
0x3d: {  	_ =	shalt  }
0x3e: {  	_ =	shalt  }
0x3f: {  	_ =	shalt  }
0x40: {  	_ =	shalt  }
0x41: {  	_ =	shalt  }
0x42: {  	_ =	shalt  }
0x43: {  	_ =	shalt  }
0x44: {  	_ =	shalt  }
0x45: {  	_ =	shalt  }
0x46: {  	_ =	shalt  }
0x47: {  	_ =	shalt  }
0x48: {  	_ =	shalt  }
0x49: {  	_ =	shalt  }
0x4a: {  	_ =	shalt  }
0x4b: {  	_ =	shalt  }
0x4c: {  	_ =	shalt  }
0x4d: {  	_ =	shalt  }
0x4e: {  	_ =	shalt  }
0x4f: {  	_ =	shalt  }
0x50: {  	_ =	shalt  }
0x51: {  	_ =	shalt  }
0x52: {  	_ =	shalt  }
0x53: {  	_ =	shalt  }
0x54: {  	_ =	shalt  }
0x55: {  	_ =	shalt  }
0x56: {  	_ =	shalt  }
0x57: {  	_ =	shalt  }
0x58: {  	_ =	shalt  }
0x59: {  	_ =	shalt  }
0x5a: {  	_ =	shalt  }
0x5b: {  	_ =	shalt  }
0x5c: {  	_ =	shalt  }
0x5d: {  	_ =	shalt  }
0x5e: {  	_ =	shalt  }
0x5f: {  	_ =	shalt  }
0x60: {  	_ =	shalt  }
0x61: {  	_ =	shalt  }
0x62: {  	_ =	shalt  }
0x63: {  	_ =	shalt  }
0x64: {  	_ =	shalt  }
0x65: {  	_ =	shalt  }
0x66: {  	_ =	shalt  }
0x67: {  	_ =	shalt  }
0x68: {  	_ =	shalt  }
0x69: {  	_ =	shalt  }
0x6a: {  	_ =	shalt  }
0x6b: {  	_ =	shalt  }
0x6c: {  	_ =	shalt  }
0x6d: {  	_ =	shalt  }
0x6e: {  	_ =	shalt  }
0x6f: {  	_ =	shalt  }
0x70: {  	_ =	shalt  }
0x71: {  	_ =	shalt  }
0x72: {  	_ =	shalt  }
0x73: {  	_ =	shalt  }
0x74: {  	_ =	shalt  }
0x75: {  	_ =	shalt  }
0x76: {  	_ =	shalt  }
0x77: {  	_ =	shalt  }
0x78: {  	_ =	shalt  }
0x79: {  	_ =	shalt  }
0x7a: {  	_ =	shalt  }
0x7b: {  	_ =	shalt  }
0x7c: {  	_ =	shalt  }
0x7d: {  	_ =	shalt  }
0x7e: {  	_ =	shalt  }
0x7f: {  	_ =	shalt  }
0x80: {  	_ =	shalt  }
0x81: {  	_ =	shalt  }
0x82: {  	_ =	shalt  }
0x83: {  	_ =	shalt  }
0x84: {  	_ =	shalt  }
0x85: {  	_ =	shalt  }
0x86: {  	_ =	shalt  }
0x87: {  	_ =	shalt  }
.Lfunc_end0:
.L_simem_size_0:
called_computation_lowered:
.L_overlay_start_0:
0x88: {  	s2 =	sld [smem:$0x3FD9]  }
0x89: {  	s3 =	sld [smem:$0x3FFE];
	_ =	sdelay $0x1  }
0x8a: {  	s1 =	srdreg.scid  }
0x8b: {  	s0 =	sand.u32 $0x1, s1  }
0x8c: {  	s15 =	sshll.u32 s0, $0xA;
	s2 =	sadd.s32 s3, s2  }
0x8d: {  	s2 =	sadd.s32 s2, s15  }
0x8e: {  	[smem:$0x3FBE] =	sst s2  }
0x8f: {  	_ = 	snop  }
0x90: {  	s2 =	sld [smem:$0x3FD0];
	_ =	sdelay $0x2  }
0x91: {  	s4 =	simm.s32 $0xA;
	s5 =	simm.s32 $0x10;
	s16 =	sld [smem:$0x3FC8]  }
0x92: {  	[smem:s5], [sflag:s4] =	dma.local [hbm:s2], $0x1  }
0x93: {  	_ =	swait.eq [sflag:s4], $0x1  }
0x94: {  	[sflag:s4] =	ssyncset.done $0x0  }
0x95: {  	s17 =	sld [smem:$0x10];
	[sflag:s4] =	ssyncadd.s32 $0xFFFFFFFF  }
0x96: {  	s18 =	sld [smem:$0x11];
	(tm) =	ssettm $0x1  }
0x97: {  	s19 =	sld [smem:$0x3FFB];
	_ =	sdelay $0x3  }
0x98: {  	_ =	strace s19  }
0x99: {  	s5 =	sld [smem:$0x3FFC];
	_ =	sdelay $0x3  }
0x9a: {  	_ =	strace s5  }
0x9b: {  	s5 =	sld [smem:$0x3FFD];
	_ =	sdelay $0x3  }
0x9c: {  	_ =	strace s5  }
0x9d: {  	_ =	strace $0x8FFFFFFF  }
0x9e: {  	s20 =	sld [smem:$0x3FDB];
	_ =	sdelay $0x1  }
0x9f: {  	s6 =	simm.s32 $_scs_section_size  }
0xa0: {  	s7 =	simm.s32 $_size__tile_overlayer_lowered;
	s8 =	simm.s32 $_tile_overlayer_lowered  }
0xa1: {  	s23 =	simm.s32 $0x1BFF;
	s22 =	sshll.u32 s8, $0x1;
	s5 =	sadd.s32 s6, s20  }
0xa2: {  	s9 =	simm.s32 $0x0;
	s21 =	sshll.u32 s7, $0x1;
	s7 =	sadd.s32 s22, s5  }
0xa3: {  	[timem:s9], [sflag:s23] =	dma.local [hbm:s7], s21  }
0xa4: {  	_ =	swait.ge [sflag:s23], s21  }
0xa5: {  	s6 =	ssub.s32 $0x0, s21;
	[sflag:s23] =	ssyncset.done $0x0  }
0xa6: {  	[sflag:s23] =	ssyncadd.s32 s6;
	_ =	sdelay $0x1  }
0xa7: {  	s24 =	simm.s32 $0x1B8B  }
0xa8: {  	_ =	swait.ge [sflag:s24], $0x1  }
0xa9: {  	[sflag:s24] =	ssyncset.done $0x0  }
0xaa: {  	s25 =	simm.s32 $0x1B8E;
	[sflag:s24] =	ssyncadd.s32 $0xFFFFFFFF  }
0xab: {  	s26 =	simm.s32 $execute0_lowered;
	[smem:$0x3FD2] =	sst s25  }
0xac: {  	s6 =	sshll.u32 s26, $0x1;
	_ =	strace $0x80000046;
	[dreg:$0x1] =	wrdreg $0xFFFFFFFF  }
0xad: {  	s28 =	simm.s32 $_size_execute0_lowered;
	s5 =	sadd.s32 s5, s6;
	[dreg:$0x0] =	wrdreg $0x0  }
0xae: {  	s6 =	sshll.u32 s28, $0x1;
	[dreg:$0x2] =	wrdreg s5  }
0xaf: {  	[dreg:$0x3] =	wrdreg s6  }
0xb0: {  	[dreg:$0x4] =	wrdreg $0xC0  }
0xb1: {  	_ =	task [dreg:s9], $0x5FFFF  }
0xb2: {  	[dreg:$0x1] =	wrdreg $0xFFFFFFFF  }
0xb3: {  	[dreg:$0x0] =	wrdreg $0x60  }
0xb4: {  	[dreg:$0x2] =	wrdreg s16  }
0xb5: {  	[dreg:$0x3] =	wrdreg s18  }
0xb6: {  	[dreg:$0x4] =	wrdreg s17  }
0xb7: {  	[dreg:$0x5] =	wrdreg $0x9  }
0xb8: {  	_ =	task.clear_ibuf [dreg:s9], $0x6FFFF;
	_ =	strace $0x90000046  }
0xb9: {  	s29 =	simm.s32 $0x9;
	_ =	strace $0x80000048  }
0xba: {  	_ =	swait.ge [sflag:s29], $0x1  }
0xbb: {  	[sflag:s29] =	ssyncadd.s32 $0xFFFFFFFF  }
0xbc: {  	_ =	strace $0x90000048  }
0xbd: {  	_ =	sfence  }
0xbe: {  	s30 =	sld [smem:$0x0];
	_ =	sdelay $0x2  }
0xbf: {  	s31 =	sshll.u32 s1, $0xD;
	s1 =	sshrl.u32 s1, $0x2  }
0xc0: {  	s3 =	sand.u32 $0x4000, s31;
	s1 =	sadd.s32 s1, s30  }
0xc1: {  	s0 =	sor.u32 s3, s0;
	s1 =	sshll.u32 s1, $0x11  }
0xc2: {  	s0 =	sor.u32 s1, s0  }
0xc3: {  	s0 =	sadd.s32 $0x8F2B, s0  }
0xc4: {  	[sflag:s0] =	ssyncadd.remote.s32 $0x1  }
0xc5: {  	_ =	sfence.sel $0xFFFF  }
0xc6: {  	[dreg:$0x0] =	wrdreg $0xFFFFFFFF;
	(pc) =	sbr.abs _section_cstart, $3  }
0xc7: {  	[dreg:$0x1] =	wrdreg $0xFFFFFFFF  }
0xc8: {  	_ =	task.clear_ibuf [dreg:s9], $0x2FFFF;
	_ =	strace $0x9FFFFFFF  }
0xc9: {  	(tm) =	ssettm $0x7FFFFFFF  }
tec
execute0_lowered:
.L_overlay_start_1:
0x0: {  	(tag) =	ssettag $0x1  }
0x1: {  	s0 =	srdreg.scid;
	s1 =	stileid.u32  }
0x2: {  	s2 =	rddreg [dreg:$0x0];
	s0 =	sand.u32 $0x1, s0;
	s1 =	sshll.u32 s1, $0x1  }
0x3: {  	s4 =	rddreg [dreg:$0x1];
	s1 =	sor.u32 s0, s1  }
0x4: {  	s5 =	rddreg [dreg:$0x2];
	s3 =	simm.s32 $0x0;
	s6 =	smul.u32 $0x180, s1  }
0x5: {  	[smem:$0x7FF] =	sst s3;
	s0 =	ssub.s32 $0x2, s0;
	s7 =	smul.u32 $0x32000, s1  }
0x6: {  	_ =	strace $0x80000047;
	s1 =	smul.u32 $0x6400, s1;
	s24 =	sshrl.u32 s0, $0x1  }
0x7: {  	s0 =	ssub.s32 s0, s24;
	s4 =	sadd.s32 s4, s6;
	s7 =	sshrl.u32 s7, $0x3  }
0x8: {  	s1 =	sadd.s32 s5, s1;
	s0 =	smax.u32 s0, $0x1;
	[dreg:$0x4] =	wrdreg s4  }
0x9: {  	s8 =	sadd.s32 s5, s7;
	[dreg:$0x5] =	wrdreg s1;
	p1 =	sne.s32 s0, $0x1  }
0xa: {  	s1 =	sadd.s32 $0xFFFFFFFF, s0;
	s9 =	sadd.s32 $0x500, s8;
	s0 =	rddreg [dreg:$0x4]  }
0xb: {  	s10 =	sadd.s32 $0xA00, s8;
	[dreg:$0x6] =	wrdreg s9  }
0xc: {  	s11 =	sadd.s32 $0xF00, s8;
	[dreg:$0x7] =	wrdreg s10  }
0xd: {  	s12 =	sadd.s32 $0x1400, s8;
	[dreg:$0x8] =	wrdreg s11  }
0xe: {  	s13 =	sadd.s32 $0x1900, s8;
	[dreg:$0x9] =	wrdreg s12  }
0xf: {  	s14 =	sadd.s32 $0x1E00, s8;
	[dreg:$0xa] =	wrdreg s13  }
0x10: {  	s15 =	sadd.s32 $0x2300, s8;
	[dreg:$0xb] =	wrdreg s14  }
0x11: {  	s16 =	sadd.s32 $0x2800, s8;
	[dreg:$0xc] =	wrdreg s15  }
0x12: {  	s31 =	simm.s32 $0x80;
	s17 =	sadd.s32 $0x2D00, s8;
	[dreg:$0xd] =	wrdreg s16  }
0x13: {  	s30 =	simm.s32 $0x100;
	s18 =	sadd.s32 $0x3200, s8;
	[dreg:$0xe] =	wrdreg s17  }
0x14: {  	s29 =	simm.s32 $0x180;
	s19 =	sadd.s32 $0x3700, s8;
	[dreg:$0xf] =	wrdreg s18  }
0x15: {  	s28 =	simm.s32 $0x200;
	s20 =	sadd.s32 $0x3C00, s8;
	[dreg:$0x10] =	wrdreg s19  }
0x16: {  	p0 =	por $0x0, $0x0;
	s21 =	sadd.s32 $0x4100, s8;
	[dreg:$0x11] =	wrdreg s20  }
0x17: {  	s24 =	simm.s32 $0x380;
	s22 =	sadd.s32 $0x4600, s8;
	[dreg:$0x12] =	wrdreg s21  }
0x18: {  	s4 =	simm.s32 $0x3;
	s23 =	sadd.s32 $0x4B00, s8;
	[dreg:$0x13] =	wrdreg s22  }
0x19: {  	s7 =	simm.s32 $0x3400;
	s25 =	sadd.s32 $0x5000, s8;
	[dreg:$0x14] =	wrdreg s23  }
0x1a: {  	s26 =	sadd.s32 $0x5500, s8;
	s6 =	sadd.s32 $0x5A00, s8;
	[dreg:$0x15] =	wrdreg s25  }
0x1b: {  	s5 =	sadd.s32 $0x5F00, s8;
	s8 =	simm.s32 $0x2;
	[dreg:$0x16] =	wrdreg s26  }
0x1c: {  	s9 =	simm.s32 $0x50;
	s10 =	simm.s32 $0xC00;
	s11 =	simm.s32 $0x1  }
.Ltmp0:
0x1d: {  	s26 =	simm.s32 $0x280;
	s25 =	simm.s32 $0x300;
	(pc) =	sbr.rel @!p1 .LBB2_3-.Ltmp0, $4  }
0x1e: {  	s23 =	simm.s32 $0x400;
	s22 =	simm.s32 $0x480;
	s21 =	simm.s32 $0x500  }
0x1f: {  	s20 =	simm.s32 $0x580;
	s19 =	simm.s32 $0x600;
	s18 =	simm.s32 $0x680  }
0x20: {  	s17 =	simm.s32 $0x700;
	s16 =	simm.s32 $0x780;
	s15 =	simm.s32 $0x800  }
0x21: {  	s14 =	simm.s32 $0x880;
	s13 =	simm.s32 $0x900;
	s12 =	simm.s32 $0x980  }
0x22: {  	[tilespmem:s3], [sflag:$0x3] =	stream.linear.gather [hbm4b:s0+s3], $0xA00, $0x38;
	[tilespmem:$0x5C00] =	vst v63  }
0x23: {  	_ =	swait.ge [sflag:s4], $0xA00  }
0x24: {  	[sflag:s4] =	ssyncset.done $0x0  }
0x25: {  	[sflag:s4] =	ssyncadd.s32 $0xFFFFF600  }
0x26: {  	[tilespmem:s10], [sflag:$0x1] =	stream.indirect.gather [hbm4b:s2+s9], $0x80, s3, s9, $0xb8;
	[tilespmem:$0x5C00] =	vst v63  }
0x27: {  	_ =	swait.ge [sflag:s11], $0x2800  }
0x28: {  	[sflag:s11] =	ssyncset.done $0x0  }
0x29: {  	[sflag:s11] =	ssyncadd.s32 $0xFFFFD800  }
0x2a: {  	[tilespmem:s7], [sflag:$0x2] =	stream.indirect.gather [hbm4b:s2+s9], $0x80, s31, s9, $0xb8;
	[tilespmem:$0x5C00] =	vst v63  }
0x2b: {  	s0 =	rddreg [dreg:$0x5]  }
0x2c: {  	[hbm4b:s0+s3] =	stream.linear.scatter [tilespmem:s10], [sflag:$0x3], $0x2800, $0x38;
	[tilespmem:$0x5C00] =	vst v63  }
0x2d: {  	_ =	swait.ge [sflag:s4], $0x2800  }
0x2e: {  	[sflag:s4] =	ssyncset.done $0x0  }
0x2f: {  	[sflag:s4] =	ssyncadd.s32 $0xFFFFD800  }
0x30: {  	_ =	swait.ge [sflag:s8], $0x2800  }
0x31: {  	[sflag:s8] =	ssyncset.done $0x0  }
0x32: {  	[sflag:s8] =	ssyncadd.s32 $0xFFFFD800  }
0x33: {  	[tilespmem:s10], [sflag:$0x1] =	stream.indirect.gather [hbm4b:s2+s9], $0x80, s30, s9, $0xb8;
	[tilespmem:$0x5C00] =	vst v63  }
0x34: {  	s0 =	rddreg [dreg:$0x6]  }
0x35: {  	[hbm4b:s0+s3] =	stream.linear.scatter [tilespmem:s7], [sflag:$0x3], $0x2800, $0x38;
	[tilespmem:$0x5C00] =	vst v63  }
0x36: {  	_ =	swait.ge [sflag:s4], $0x2800  }
0x37: {  	[sflag:s4] =	ssyncset.done $0x0  }
0x38: {  	[sflag:s4] =	ssyncadd.s32 $0xFFFFD800  }
0x39: {  	_ =	swait.ge [sflag:s11], $0x2800  }
0x3a: {  	[sflag:s11] =	ssyncset.done $0x0  }
0x3b: {  	[sflag:s11] =	ssyncadd.s32 $0xFFFFD800  }
0x3c: {  	[tilespmem:s7], [sflag:$0x2] =	stream.indirect.gather [hbm4b:s2+s9], $0x80, s29, s9, $0xb8;
	[tilespmem:$0x5C00] =	vst v63  }
0x3d: {  	s0 =	rddreg [dreg:$0x7]  }
0x3e: {  	[hbm4b:s0+s3] =	stream.linear.scatter [tilespmem:s10], [sflag:$0x3], $0x2800, $0x38;
	[tilespmem:$0x5C00] =	vst v63  }
0x3f: {  	_ =	swait.ge [sflag:s4], $0x2800  }
0x40: {  	[sflag:s4] =	ssyncset.done $0x0  }
0x41: {  	[sflag:s4] =	ssyncadd.s32 $0xFFFFD800  }
0x42: {  	_ =	swait.ge [sflag:s8], $0x2800  }
0x43: {  	[sflag:s8] =	ssyncset.done $0x0  }
0x44: {  	[sflag:s8] =	ssyncadd.s32 $0xFFFFD800  }
0x45: {  	[tilespmem:s10], [sflag:$0x1] =	stream.indirect.gather [hbm4b:s2+s9], $0x80, s28, s9, $0xb8;
	[tilespmem:$0x5C00] =	vst v63  }
0x46: {  	s0 =	rddreg [dreg:$0x8]  }
0x47: {  	[hbm4b:s0+s3] =	stream.linear.scatter [tilespmem:s7], [sflag:$0x3], $0x2800, $0x38;
	[tilespmem:$0x5C00] =	vst v63  }
0x48: {  	_ =	swait.ge [sflag:s4], $0x2800  }
0x49: {  	[sflag:s4] =	ssyncset.done $0x0  }
0x4a: {  	[sflag:s4] =	ssyncadd.s32 $0xFFFFD800  }
0x4b: {  	_ =	swait.ge [sflag:s11], $0x2800  }
0x4c: {  	[sflag:s11] =	ssyncset.done $0x0  }
0x4d: {  	[sflag:s11] =	ssyncadd.s32 $0xFFFFD800  }
0x4e: {  	[tilespmem:s7], [sflag:$0x2] =	stream.indirect.gather [hbm4b:s2+s9], $0x80, s26, s9, $0xb8;
	[tilespmem:$0x5C00] =	vst v63  }
0x4f: {  	s0 =	rddreg [dreg:$0x9]  }
0x50: {  	[hbm4b:s0+s3] =	stream.linear.scatter [tilespmem:s10], [sflag:$0x3], $0x2800, $0x38;
	[tilespmem:$0x5C00] =	vst v63  }
0x51: {  	_ =	swait.ge [sflag:s4], $0x2800  }
0x52: {  	[sflag:s4] =	ssyncset.done $0x0  }
0x53: {  	[sflag:s4] =	ssyncadd.s32 $0xFFFFD800  }
0x54: {  	_ =	swait.ge [sflag:s8], $0x2800  }
0x55: {  	[sflag:s8] =	ssyncset.done $0x0  }
0x56: {  	[sflag:s8] =	ssyncadd.s32 $0xFFFFD800  }
0x57: {  	[tilespmem:s10], [sflag:$0x1] =	stream.indirect.gather [hbm4b:s2+s9], $0x80, s25, s9, $0xb8;
	[tilespmem:$0x5C00] =	vst v63  }
0x58: {  	s0 =	rddreg [dreg:$0xa]  }
0x59: {  	[hbm4b:s0+s3] =	stream.linear.scatter [tilespmem:s7], [sflag:$0x3], $0x2800, $0x38;
	[tilespmem:$0x5C00] =	vst v63  }
0x5a: {  	_ =	swait.ge [sflag:s4], $0x2800  }
0x5b: {  	[sflag:s4] =	ssyncset.done $0x0  }
0x5c: {  	[sflag:s4] =	ssyncadd.s32 $0xFFFFD800  }
0x5d: {  	_ =	swait.ge [sflag:s11], $0x2800  }
0x5e: {  	[sflag:s11] =	ssyncset.done $0x0  }
0x5f: {  	[sflag:s11] =	ssyncadd.s32 $0xFFFFD800  }
0x60: {  	[tilespmem:s7], [sflag:$0x2] =	stream.indirect.gather [hbm4b:s2+s9], $0x80, s24, s9, $0xb8;
	[tilespmem:$0x5C00] =	vst v63  }
0x61: {  	s0 =	rddreg [dreg:$0xb]  }
0x62: {  	[hbm4b:s0+s3] =	stream.linear.scatter [tilespmem:s10], [sflag:$0x3], $0x2800, $0x38;
	[tilespmem:$0x5C00] =	vst v63  }
0x63: {  	_ =	swait.ge [sflag:s4], $0x2800  }
0x64: {  	[sflag:s4] =	ssyncset.done $0x0  }
0x65: {  	[sflag:s4] =	ssyncadd.s32 $0xFFFFD800  }
0x66: {  	_ =	swait.ge [sflag:s8], $0x2800  }
0x67: {  	[sflag:s8] =	ssyncset.done $0x0  }
0x68: {  	[sflag:s8] =	ssyncadd.s32 $0xFFFFD800  }
0x69: {  	[tilespmem:s10], [sflag:$0x1] =	stream.indirect.gather [hbm4b:s2+s9], $0x80, s23, s9, $0xb8;
	[tilespmem:$0x5C00] =	vst v63  }
0x6a: {  	s0 =	rddreg [dreg:$0xc]  }
0x6b: {  	[hbm4b:s0+s3] =	stream.linear.scatter [tilespmem:s7], [sflag:$0x3], $0x2800, $0x38;
	[tilespmem:$0x5C00] =	vst v63  }
0x6c: {  	_ =	swait.ge [sflag:s4], $0x2800  }
0x6d: {  	[sflag:s4] =	ssyncset.done $0x0  }
0x6e: {  	[sflag:s4] =	ssyncadd.s32 $0xFFFFD800  }
0x6f: {  	_ =	swait.ge [sflag:s11], $0x2800  }
0x70: {  	[sflag:s11] =	ssyncset.done $0x0  }
0x71: {  	[sflag:s11] =	ssyncadd.s32 $0xFFFFD800  }
0x72: {  	[tilespmem:s7], [sflag:$0x2] =	stream.indirect.gather [hbm4b:s2+s9], $0x80, s22, s9, $0xb8;
	[tilespmem:$0x5C00] =	vst v63  }
0x73: {  	s0 =	rddreg [dreg:$0xd]  }
0x74: {  	[hbm4b:s0+s3] =	stream.linear.scatter [tilespmem:s10], [sflag:$0x3], $0x2800, $0x38;
	[tilespmem:$0x5C00] =	vst v63  }
0x75: {  	_ =	swait.ge [sflag:s4], $0x2800  }
0x76: {  	[sflag:s4] =	ssyncset.done $0x0  }
0x77: {  	[sflag:s4] =	ssyncadd.s32 $0xFFFFD800  }
0x78: {  	_ =	swait.ge [sflag:s8], $0x2800  }
0x79: {  	[sflag:s8] =	ssyncset.done $0x0  }
0x7a: {  	[sflag:s8] =	ssyncadd.s32 $0xFFFFD800  }
0x7b: {  	[tilespmem:s10], [sflag:$0x1] =	stream.indirect.gather [hbm4b:s2+s9], $0x80, s21, s9, $0xb8;
	[tilespmem:$0x5C00] =	vst v63  }
0x7c: {  	s0 =	rddreg [dreg:$0xe]  }
0x7d: {  	[hbm4b:s0+s3] =	stream.linear.scatter [tilespmem:s7], [sflag:$0x3], $0x2800, $0x38;
	[tilespmem:$0x5C00] =	vst v63  }
0x7e: {  	_ =	swait.ge [sflag:s4], $0x2800  }
0x7f: {  	[sflag:s4] =	ssyncset.done $0x0  }
0x80: {  	[sflag:s4] =	ssyncadd.s32 $0xFFFFD800  }
0x81: {  	_ =	swait.ge [sflag:s11], $0x2800  }
0x82: {  	[sflag:s11] =	ssyncset.done $0x0  }
0x83: {  	[sflag:s11] =	ssyncadd.s32 $0xFFFFD800  }
0x84: {  	[tilespmem:s7], [sflag:$0x2] =	stream.indirect.gather [hbm4b:s2+s9], $0x80, s20, s9, $0xb8;
	[tilespmem:$0x5C00] =	vst v63  }
0x85: {  	s0 =	rddreg [dreg:$0xf]  }
0x86: {  	[hbm4b:s0+s3] =	stream.linear.scatter [tilespmem:s10], [sflag:$0x3], $0x2800, $0x38;
	[tilespmem:$0x5C00] =	vst v63  }
0x87: {  	_ =	swait.ge [sflag:s4], $0x2800  }
0x88: {  	[sflag:s4] =	ssyncset.done $0x0  }
0x89: {  	[sflag:s4] =	ssyncadd.s32 $0xFFFFD800  }
0x8a: {  	_ =	swait.ge [sflag:s8], $0x2800  }
0x8b: {  	[sflag:s8] =	ssyncset.done $0x0  }
0x8c: {  	[sflag:s8] =	ssyncadd.s32 $0xFFFFD800  }
0x8d: {  	[tilespmem:s10], [sflag:$0x1] =	stream.indirect.gather [hbm4b:s2+s9], $0x80, s19, s9, $0xb8;
	[tilespmem:$0x5C00] =	vst v63  }
0x8e: {  	s0 =	rddreg [dreg:$0x10]  }
0x8f: {  	[hbm4b:s0+s3] =	stream.linear.scatter [tilespmem:s7], [sflag:$0x3], $0x2800, $0x38;
	[tilespmem:$0x5C00] =	vst v63  }
0x90: {  	_ =	swait.ge [sflag:s4], $0x2800  }
0x91: {  	[sflag:s4] =	ssyncset.done $0x0  }
0x92: {  	[sflag:s4] =	ssyncadd.s32 $0xFFFFD800  }
0x93: {  	_ =	swait.ge [sflag:s11], $0x2800  }
0x94: {  	[sflag:s11] =	ssyncset.done $0x0  }
0x95: {  	[sflag:s11] =	ssyncadd.s32 $0xFFFFD800  }
0x96: {  	[tilespmem:s7], [sflag:$0x2] =	stream.indirect.gather [hbm4b:s2+s9], $0x80, s18, s9, $0xb8;
	[tilespmem:$0x5C00] =	vst v63  }
0x97: {  	s0 =	rddreg [dreg:$0x11]  }
0x98: {  	[hbm4b:s0+s3] =	stream.linear.scatter [tilespmem:s10], [sflag:$0x3], $0x2800, $0x38;
	[tilespmem:$0x5C00] =	vst v63  }
0x99: {  	_ =	swait.ge [sflag:s4], $0x2800  }
0x9a: {  	[sflag:s4] =	ssyncset.done $0x0  }
0x9b: {  	[sflag:s4] =	ssyncadd.s32 $0xFFFFD800  }
0x9c: {  	_ =	swait.ge [sflag:s8], $0x2800  }
0x9d: {  	[sflag:s8] =	ssyncset.done $0x0  }
0x9e: {  	[sflag:s8] =	ssyncadd.s32 $0xFFFFD800  }
0x9f: {  	[tilespmem:s10], [sflag:$0x1] =	stream.indirect.gather [hbm4b:s2+s9], $0x80, s17, s9, $0xb8;
	[tilespmem:$0x5C00] =	vst v63  }
0xa0: {  	s0 =	rddreg [dreg:$0x12]  }
0xa1: {  	[hbm4b:s0+s3] =	stream.linear.scatter [tilespmem:s7], [sflag:$0x3], $0x2800, $0x38;
	[tilespmem:$0x5C00] =	vst v63  }
0xa2: {  	_ =	swait.ge [sflag:s4], $0x2800  }
0xa3: {  	[sflag:s4] =	ssyncset.done $0x0  }
0xa4: {  	[sflag:s4] =	ssyncadd.s32 $0xFFFFD800  }
0xa5: {  	_ =	swait.ge [sflag:s11], $0x2800  }
0xa6: {  	[sflag:s11] =	ssyncset.done $0x0  }
0xa7: {  	[sflag:s11] =	ssyncadd.s32 $0xFFFFD800  }
0xa8: {  	[tilespmem:s7], [sflag:$0x2] =	stream.indirect.gather [hbm4b:s2+s9], $0x80, s16, s9, $0xb8;
	[tilespmem:$0x5C00] =	vst v63  }
0xa9: {  	s0 =	rddreg [dreg:$0x13]  }
0xaa: {  	[hbm4b:s0+s3] =	stream.linear.scatter [tilespmem:s10], [sflag:$0x3], $0x2800, $0x38;
	[tilespmem:$0x5C00] =	vst v63  }
0xab: {  	_ =	swait.ge [sflag:s4], $0x2800  }
0xac: {  	[sflag:s4] =	ssyncset.done $0x0  }
0xad: {  	[sflag:s4] =	ssyncadd.s32 $0xFFFFD800  }
0xae: {  	_ =	swait.ge [sflag:s8], $0x2800  }
0xaf: {  	[sflag:s8] =	ssyncset.done $0x0  }
0xb0: {  	[sflag:s8] =	ssyncadd.s32 $0xFFFFD800  }
0xb1: {  	[tilespmem:s10], [sflag:$0x1] =	stream.indirect.gather [hbm4b:s2+s9], $0x80, s15, s9, $0xb8;
	[tilespmem:$0x5C00] =	vst v63  }
0xb2: {  	s0 =	rddreg [dreg:$0x14]  }
0xb3: {  	[hbm4b:s0+s3] =	stream.linear.scatter [tilespmem:s7], [sflag:$0x3], $0x2800, $0x38;
	[tilespmem:$0x5C00] =	vst v63  }
0xb4: {  	_ =	swait.ge [sflag:s4], $0x2800  }
0xb5: {  	[sflag:s4] =	ssyncset.done $0x0  }
0xb6: {  	[sflag:s4] =	ssyncadd.s32 $0xFFFFD800  }
0xb7: {  	_ =	swait.ge [sflag:s11], $0x2800  }
0xb8: {  	[sflag:s11] =	ssyncset.done $0x0  }
0xb9: {  	[sflag:s11] =	ssyncadd.s32 $0xFFFFD800  }
0xba: {  	[tilespmem:s7], [sflag:$0x2] =	stream.indirect.gather [hbm4b:s2+s9], $0x80, s14, s9, $0xb8;
	[tilespmem:$0x5C00] =	vst v63  }
0xbb: {  	s0 =	rddreg [dreg:$0x15]  }
0xbc: {  	[hbm4b:s0+s3] =	stream.linear.scatter [tilespmem:s10], [sflag:$0x3], $0x2800, $0x38;
	[tilespmem:$0x5C00] =	vst v63  }
0xbd: {  	_ =	swait.ge [sflag:s4], $0x2800  }
0xbe: {  	[sflag:s4] =	ssyncset.done $0x0  }
0xbf: {  	[sflag:s4] =	ssyncadd.s32 $0xFFFFD800  }
0xc0: {  	_ =	swait.ge [sflag:s8], $0x2800  }
0xc1: {  	[sflag:s8] =	ssyncset.done $0x0  }
0xc2: {  	[sflag:s8] =	ssyncadd.s32 $0xFFFFD800  }
0xc3: {  	[tilespmem:s10], [sflag:$0x1] =	stream.indirect.gather [hbm4b:s2+s9], $0x80, s13, s9, $0xb8;
	[tilespmem:$0x5C00] =	vst v63  }
0xc4: {  	s0 =	rddreg [dreg:$0x16]  }
0xc5: {  	[hbm4b:s0+s3] =	stream.linear.scatter [tilespmem:s7], [sflag:$0x3], $0x2800, $0x38;
	[tilespmem:$0x5C00] =	vst v63  }
0xc6: {  	_ =	swait.ge [sflag:s4], $0x2800  }
0xc7: {  	[sflag:s4] =	ssyncset.done $0x0  }
0xc8: {  	[sflag:s4] =	ssyncadd.s32 $0xFFFFD800  }
0xc9: {  	_ =	swait.ge [sflag:s11], $0x2800  }
0xca: {  	[sflag:s11] =	ssyncset.done $0x0  }
0xcb: {  	[sflag:s11] =	ssyncadd.s32 $0xFFFFD800  }
0xcc: {  	[tilespmem:s7], [sflag:$0x2] =	stream.indirect.gather [hbm4b:s2+s9], $0x80, s12, s9, $0xb8;
	[tilespmem:$0x5C00] =	vst v63  }
0xcd: {  	_ = 	snop  }
0xce: {  	[hbm4b:s6+s3] =	stream.linear.scatter [tilespmem:s10], [sflag:$0x3], $0x2800, $0x38;
	[tilespmem:$0x5C00] =	vst v63  }
0xcf: {  	_ =	swait.ge [sflag:s4], $0x2800  }
0xd0: {  	[sflag:s4] =	ssyncset.done $0x0  }
0xd1: {  	[sflag:s4] =	ssyncadd.s32 $0xFFFFD800  }
0xd2: {  	p1 =	sne.s32 s1, $0x1;
	_ =	swait.ge [sflag:s8], $0x2800  }
.Ltmp1:
0xd3: {  	[sflag:s8] =	ssyncset.done $0x0;
	(pc) =	sbr.rel @!p1 .LBB2_3-.Ltmp1, $4  }
0xd4: {  	[sflag:s8] =	ssyncadd.s32 $0xFFFFD800  }
0xd5: {  	[hbm4b:s5+s3] =	stream.linear.scatter [tilespmem:s7], [sflag:$0x3], $0x2800, $0x38;
	[tilespmem:$0x5C00] =	vst v63  }
0xd6: {  	s1 =	sadd.s32 $0xFFFFFFFF, s1;
	_ =	swait.ge [sflag:s4], $0x2800  }
0xd7: {  	p0 =	por $0x1, $0x1;
	s0 =	rddreg [dreg:$0x4];
	[sflag:s4] =	ssyncset.done $0x0  }
.LBB2_2:
0xd8: {  	[sflag:s4] =	ssyncadd.s32 $0xFFFFD800  }
0xd9: {  	[tilespmem:s3], [sflag:$0x3] =	stream.linear.gather [hbm4b:s0+s3], $0xA00, $0x38;
	[tilespmem:$0x5C00] =	vst v63  }
0xda: {  	_ =	swait.ge [sflag:s4], $0xA00  }
0xdb: {  	[sflag:s4] =	ssyncset.done $0x0  }
0xdc: {  	[sflag:s4] =	ssyncadd.s32 $0xFFFFF600  }
0xdd: {  	[tilespmem:s10], [sflag:$0x1] =	stream.indirect.gather [hbm4b:s2+s9], $0x80, s3, s9, $0xb8;
	[tilespmem:$0x5C00] =	vst v63  }
0xde: {  	_ =	swait.ge [sflag:s11], $0x2800  }
0xdf: {  	[sflag:s11] =	ssyncset.done $0x0  }
0xe0: {  	[sflag:s11] =	ssyncadd.s32 $0xFFFFD800  }
0xe1: {  	[tilespmem:s7], [sflag:$0x2] =	stream.indirect.gather [hbm4b:s2+s9], $0x80, s31, s9, $0xb8;
	[tilespmem:$0x5C00] =	vst v63  }
0xe2: {  	s0 =	rddreg [dreg:$0x5]  }
0xe3: {  	[hbm4b:s0+s3] =	stream.linear.scatter [tilespmem:s10], [sflag:$0x3], $0x2800, $0x38;
	[tilespmem:$0x5C00] =	vst v63  }
0xe4: {  	_ =	swait.ge [sflag:s4], $0x2800  }
0xe5: {  	[sflag:s4] =	ssyncset.done $0x0  }
0xe6: {  	[sflag:s4] =	ssyncadd.s32 $0xFFFFD800  }
0xe7: {  	_ =	swait.ge [sflag:s8], $0x2800  }
0xe8: {  	[sflag:s8] =	ssyncset.done $0x0  }
0xe9: {  	[sflag:s8] =	ssyncadd.s32 $0xFFFFD800  }
0xea: {  	[tilespmem:s10], [sflag:$0x1] =	stream.indirect.gather [hbm4b:s2+s9], $0x80, s30, s9, $0xb8;
	[tilespmem:$0x5C00] =	vst v63  }
0xeb: {  	s0 =	rddreg [dreg:$0x6]  }
0xec: {  	[hbm4b:s0+s3] =	stream.linear.scatter [tilespmem:s7], [sflag:$0x3], $0x2800, $0x38;
	[tilespmem:$0x5C00] =	vst v63  }
0xed: {  	_ =	swait.ge [sflag:s4], $0x2800  }
0xee: {  	[sflag:s4] =	ssyncset.done $0x0  }
0xef: {  	[sflag:s4] =	ssyncadd.s32 $0xFFFFD800  }
0xf0: {  	_ =	swait.ge [sflag:s11], $0x2800  }
0xf1: {  	[sflag:s11] =	ssyncset.done $0x0  }
0xf2: {  	[sflag:s11] =	ssyncadd.s32 $0xFFFFD800  }
0xf3: {  	[tilespmem:s7], [sflag:$0x2] =	stream.indirect.gather [hbm4b:s2+s9], $0x80, s29, s9, $0xb8;
	[tilespmem:$0x5C00] =	vst v63  }
0xf4: {  	s0 =	rddreg [dreg:$0x7]  }
0xf5: {  	[hbm4b:s0+s3] =	stream.linear.scatter [tilespmem:s10], [sflag:$0x3], $0x2800, $0x38;
	[tilespmem:$0x5C00] =	vst v63  }
0xf6: {  	_ =	swait.ge [sflag:s4], $0x2800  }
0xf7: {  	[sflag:s4] =	ssyncset.done $0x0  }
0xf8: {  	[sflag:s4] =	ssyncadd.s32 $0xFFFFD800  }
0xf9: {  	_ =	swait.ge [sflag:s8], $0x2800  }
0xfa: {  	[sflag:s8] =	ssyncset.done $0x0  }
0xfb: {  	[sflag:s8] =	ssyncadd.s32 $0xFFFFD800  }
0xfc: {  	[tilespmem:s10], [sflag:$0x1] =	stream.indirect.gather [hbm4b:s2+s9], $0x80, s28, s9, $0xb8;
	[tilespmem:$0x5C00] =	vst v63  }
0xfd: {  	s0 =	rddreg [dreg:$0x8]  }
0xfe: {  	[hbm4b:s0+s3] =	stream.linear.scatter [tilespmem:s7], [sflag:$0x3], $0x2800, $0x38;
	[tilespmem:$0x5C00] =	vst v63  }
0xff: {  	_ =	swait.ge [sflag:s4], $0x2800  }
0x100: {  	[sflag:s4] =	ssyncset.done $0x0  }
0x101: {  	[sflag:s4] =	ssyncadd.s32 $0xFFFFD800  }
0x102: {  	_ =	swait.ge [sflag:s11], $0x2800  }
0x103: {  	[sflag:s11] =	ssyncset.done $0x0  }
0x104: {  	[sflag:s11] =	ssyncadd.s32 $0xFFFFD800  }
0x105: {  	[tilespmem:s7], [sflag:$0x2] =	stream.indirect.gather [hbm4b:s2+s9], $0x80, s26, s9, $0xb8;
	[tilespmem:$0x5C00] =	vst v63  }
0x106: {  	s0 =	rddreg [dreg:$0x9]  }
0x107: {  	[hbm4b:s0+s3] =	stream.linear.scatter [tilespmem:s10], [sflag:$0x3], $0x2800, $0x38;
	[tilespmem:$0x5C00] =	vst v63  }
0x108: {  	_ =	swait.ge [sflag:s4], $0x2800  }
0x109: {  	[sflag:s4] =	ssyncset.done $0x0  }
0x10a: {  	[sflag:s4] =	ssyncadd.s32 $0xFFFFD800  }
0x10b: {  	_ =	swait.ge [sflag:s8], $0x2800  }
0x10c: {  	[sflag:s8] =	ssyncset.done $0x0  }
0x10d: {  	[sflag:s8] =	ssyncadd.s32 $0xFFFFD800  }
0x10e: {  	[tilespmem:s10], [sflag:$0x1] =	stream.indirect.gather [hbm4b:s2+s9], $0x80, s25, s9, $0xb8;
	[tilespmem:$0x5C00] =	vst v63  }
0x10f: {  	s0 =	rddreg [dreg:$0xa]  }
0x110: {  	[hbm4b:s0+s3] =	stream.linear.scatter [tilespmem:s7], [sflag:$0x3], $0x2800, $0x38;
	[tilespmem:$0x5C00] =	vst v63  }
0x111: {  	_ =	swait.ge [sflag:s4], $0x2800  }
0x112: {  	[sflag:s4] =	ssyncset.done $0x0  }
0x113: {  	[sflag:s4] =	ssyncadd.s32 $0xFFFFD800  }
0x114: {  	_ =	swait.ge [sflag:s11], $0x2800  }
0x115: {  	[sflag:s11] =	ssyncset.done $0x0  }
0x116: {  	[sflag:s11] =	ssyncadd.s32 $0xFFFFD800  }
0x117: {  	[tilespmem:s7], [sflag:$0x2] =	stream.indirect.gather [hbm4b:s2+s9], $0x80, s24, s9, $0xb8;
	[tilespmem:$0x5C00] =	vst v63  }
0x118: {  	s0 =	rddreg [dreg:$0xb]  }
0x119: {  	[hbm4b:s0+s3] =	stream.linear.scatter [tilespmem:s10], [sflag:$0x3], $0x2800, $0x38;
	[tilespmem:$0x5C00] =	vst v63  }
0x11a: {  	_ =	swait.ge [sflag:s4], $0x2800  }
0x11b: {  	[sflag:s4] =	ssyncset.done $0x0  }
0x11c: {  	[sflag:s4] =	ssyncadd.s32 $0xFFFFD800  }
0x11d: {  	_ =	swait.ge [sflag:s8], $0x2800  }
0x11e: {  	[sflag:s8] =	ssyncset.done $0x0  }
0x11f: {  	[sflag:s8] =	ssyncadd.s32 $0xFFFFD800  }
0x120: {  	[tilespmem:s10], [sflag:$0x1] =	stream.indirect.gather [hbm4b:s2+s9], $0x80, s23, s9, $0xb8;
	[tilespmem:$0x5C00] =	vst v63  }
0x121: {  	s0 =	rddreg [dreg:$0xc]  }
0x122: {  	[hbm4b:s0+s3] =	stream.linear.scatter [tilespmem:s7], [sflag:$0x3], $0x2800, $0x38;
	[tilespmem:$0x5C00] =	vst v63  }
0x123: {  	_ =	swait.ge [sflag:s4], $0x2800  }
0x124: {  	[sflag:s4] =	ssyncset.done $0x0  }
0x125: {  	[sflag:s4] =	ssyncadd.s32 $0xFFFFD800  }
0x126: {  	_ =	swait.ge [sflag:s11], $0x2800  }
0x127: {  	[sflag:s11] =	ssyncset.done $0x0  }
0x128: {  	[sflag:s11] =	ssyncadd.s32 $0xFFFFD800  }
0x129: {  	[tilespmem:s7], [sflag:$0x2] =	stream.indirect.gather [hbm4b:s2+s9], $0x80, s22, s9, $0xb8;
	[tilespmem:$0x5C00] =	vst v63  }
0x12a: {  	s0 =	rddreg [dreg:$0xd]  }
0x12b: {  	[hbm4b:s0+s3] =	stream.linear.scatter [tilespmem:s10], [sflag:$0x3], $0x2800, $0x38;
	[tilespmem:$0x5C00] =	vst v63  }
0x12c: {  	_ =	swait.ge [sflag:s4], $0x2800  }
0x12d: {  	[sflag:s4] =	ssyncset.done $0x0  }
0x12e: {  	[sflag:s4] =	ssyncadd.s32 $0xFFFFD800  }
0x12f: {  	_ =	swait.ge [sflag:s8], $0x2800  }
0x130: {  	[sflag:s8] =	ssyncset.done $0x0  }
0x131: {  	[sflag:s8] =	ssyncadd.s32 $0xFFFFD800  }
0x132: {  	[tilespmem:s10], [sflag:$0x1] =	stream.indirect.gather [hbm4b:s2+s9], $0x80, s21, s9, $0xb8;
	[tilespmem:$0x5C00] =	vst v63  }
0x133: {  	s0 =	rddreg [dreg:$0xe]  }
0x134: {  	[hbm4b:s0+s3] =	stream.linear.scatter [tilespmem:s7], [sflag:$0x3], $0x2800, $0x38;
	[tilespmem:$0x5C00] =	vst v63  }
0x135: {  	_ =	swait.ge [sflag:s4], $0x2800  }
0x136: {  	[sflag:s4] =	ssyncset.done $0x0  }
0x137: {  	[sflag:s4] =	ssyncadd.s32 $0xFFFFD800  }
0x138: {  	_ =	swait.ge [sflag:s11], $0x2800  }
0x139: {  	[sflag:s11] =	ssyncset.done $0x0  }
0x13a: {  	[sflag:s11] =	ssyncadd.s32 $0xFFFFD800  }
0x13b: {  	[tilespmem:s7], [sflag:$0x2] =	stream.indirect.gather [hbm4b:s2+s9], $0x80, s20, s9, $0xb8;
	[tilespmem:$0x5C00] =	vst v63  }
0x13c: {  	s0 =	rddreg [dreg:$0xf]  }
0x13d: {  	[hbm4b:s0+s3] =	stream.linear.scatter [tilespmem:s10], [sflag:$0x3], $0x2800, $0x38;
	[tilespmem:$0x5C00] =	vst v63  }
0x13e: {  	_ =	swait.ge [sflag:s4], $0x2800  }
0x13f: {  	[sflag:s4] =	ssyncset.done $0x0  }
0x140: {  	[sflag:s4] =	ssyncadd.s32 $0xFFFFD800  }
0x141: {  	_ =	swait.ge [sflag:s8], $0x2800  }
0x142: {  	[sflag:s8] =	ssyncset.done $0x0  }
0x143: {  	[sflag:s8] =	ssyncadd.s32 $0xFFFFD800  }
0x144: {  	[tilespmem:s10], [sflag:$0x1] =	stream.indirect.gather [hbm4b:s2+s9], $0x80, s19, s9, $0xb8;
	[tilespmem:$0x5C00] =	vst v63  }
0x145: {  	s0 =	rddreg [dreg:$0x10]  }
0x146: {  	[hbm4b:s0+s3] =	stream.linear.scatter [tilespmem:s7], [sflag:$0x3], $0x2800, $0x38;
	[tilespmem:$0x5C00] =	vst v63  }
0x147: {  	_ =	swait.ge [sflag:s4], $0x2800  }
0x148: {  	[sflag:s4] =	ssyncset.done $0x0  }
0x149: {  	[sflag:s4] =	ssyncadd.s32 $0xFFFFD800  }
0x14a: {  	_ =	swait.ge [sflag:s11], $0x2800  }
0x14b: {  	[sflag:s11] =	ssyncset.done $0x0  }
0x14c: {  	[sflag:s11] =	ssyncadd.s32 $0xFFFFD800  }
0x14d: {  	[tilespmem:s7], [sflag:$0x2] =	stream.indirect.gather [hbm4b:s2+s9], $0x80, s18, s9, $0xb8;
	[tilespmem:$0x5C00] =	vst v63  }
0x14e: {  	s0 =	rddreg [dreg:$0x11]  }
0x14f: {  	[hbm4b:s0+s3] =	stream.linear.scatter [tilespmem:s10], [sflag:$0x3], $0x2800, $0x38;
	[tilespmem:$0x5C00] =	vst v63  }
0x150: {  	_ =	swait.ge [sflag:s4], $0x2800  }
0x151: {  	[sflag:s4] =	ssyncset.done $0x0  }
0x152: {  	[sflag:s4] =	ssyncadd.s32 $0xFFFFD800  }
0x153: {  	_ =	swait.ge [sflag:s8], $0x2800  }
0x154: {  	[sflag:s8] =	ssyncset.done $0x0  }
0x155: {  	[sflag:s8] =	ssyncadd.s32 $0xFFFFD800  }
0x156: {  	[tilespmem:s10], [sflag:$0x1] =	stream.indirect.gather [hbm4b:s2+s9], $0x80, s17, s9, $0xb8;
	[tilespmem:$0x5C00] =	vst v63  }
0x157: {  	s0 =	rddreg [dreg:$0x12]  }
0x158: {  	[hbm4b:s0+s3] =	stream.linear.scatter [tilespmem:s7], [sflag:$0x3], $0x2800, $0x38;
	[tilespmem:$0x5C00] =	vst v63  }
0x159: {  	_ =	swait.ge [sflag:s4], $0x2800  }
0x15a: {  	[sflag:s4] =	ssyncset.done $0x0  }
0x15b: {  	[sflag:s4] =	ssyncadd.s32 $0xFFFFD800  }
0x15c: {  	_ =	swait.ge [sflag:s11], $0x2800  }
0x15d: {  	[sflag:s11] =	ssyncset.done $0x0  }
0x15e: {  	[sflag:s11] =	ssyncadd.s32 $0xFFFFD800  }
0x15f: {  	[tilespmem:s7], [sflag:$0x2] =	stream.indirect.gather [hbm4b:s2+s9], $0x80, s16, s9, $0xb8;
	[tilespmem:$0x5C00] =	vst v63  }
0x160: {  	s0 =	rddreg [dreg:$0x13]  }
0x161: {  	[hbm4b:s0+s3] =	stream.linear.scatter [tilespmem:s10], [sflag:$0x3], $0x2800, $0x38;
	[tilespmem:$0x5C00] =	vst v63  }
0x162: {  	_ =	swait.ge [sflag:s4], $0x2800  }
0x163: {  	[sflag:s4] =	ssyncset.done $0x0  }
0x164: {  	[sflag:s4] =	ssyncadd.s32 $0xFFFFD800  }
0x165: {  	_ =	swait.ge [sflag:s8], $0x2800  }
0x166: {  	[sflag:s8] =	ssyncset.done $0x0  }
0x167: {  	[sflag:s8] =	ssyncadd.s32 $0xFFFFD800  }
0x168: {  	[tilespmem:s10], [sflag:$0x1] =	stream.indirect.gather [hbm4b:s2+s9], $0x80, s15, s9, $0xb8;
	[tilespmem:$0x5C00] =	vst v63  }
0x169: {  	s0 =	rddreg [dreg:$0x14]  }
0x16a: {  	[hbm4b:s0+s3] =	stream.linear.scatter [tilespmem:s7], [sflag:$0x3], $0x2800, $0x38;
	[tilespmem:$0x5C00] =	vst v63  }
0x16b: {  	_ =	swait.ge [sflag:s4], $0x2800  }
0x16c: {  	[sflag:s4] =	ssyncset.done $0x0  }
0x16d: {  	[sflag:s4] =	ssyncadd.s32 $0xFFFFD800  }
0x16e: {  	_ =	swait.ge [sflag:s11], $0x2800  }
0x16f: {  	[sflag:s11] =	ssyncset.done $0x0  }
0x170: {  	[sflag:s11] =	ssyncadd.s32 $0xFFFFD800  }
0x171: {  	[tilespmem:s7], [sflag:$0x2] =	stream.indirect.gather [hbm4b:s2+s9], $0x80, s14, s9, $0xb8;
	[tilespmem:$0x5C00] =	vst v63  }
0x172: {  	s0 =	rddreg [dreg:$0x15]  }
0x173: {  	[hbm4b:s0+s3] =	stream.linear.scatter [tilespmem:s10], [sflag:$0x3], $0x2800, $0x38;
	[tilespmem:$0x5C00] =	vst v63  }
0x174: {  	_ =	swait.ge [sflag:s4], $0x2800  }
0x175: {  	[sflag:s4] =	ssyncset.done $0x0  }
0x176: {  	[sflag:s4] =	ssyncadd.s32 $0xFFFFD800  }
0x177: {  	_ =	swait.ge [sflag:s8], $0x2800  }
0x178: {  	[sflag:s8] =	ssyncset.done $0x0  }
0x179: {  	[sflag:s8] =	ssyncadd.s32 $0xFFFFD800  }
0x17a: {  	[tilespmem:s10], [sflag:$0x1] =	stream.indirect.gather [hbm4b:s2+s9], $0x80, s13, s9, $0xb8;
	[tilespmem:$0x5C00] =	vst v63  }
0x17b: {  	s0 =	rddreg [dreg:$0x16]  }
0x17c: {  	[hbm4b:s0+s3] =	stream.linear.scatter [tilespmem:s7], [sflag:$0x3], $0x2800, $0x38;
	[tilespmem:$0x5C00] =	vst v63  }
0x17d: {  	_ =	swait.ge [sflag:s4], $0x2800  }
0x17e: {  	[sflag:s4] =	ssyncset.done $0x0  }
0x17f: {  	[sflag:s4] =	ssyncadd.s32 $0xFFFFD800  }
0x180: {  	_ =	swait.ge [sflag:s11], $0x2800  }
0x181: {  	[sflag:s11] =	ssyncset.done $0x0  }
0x182: {  	[sflag:s11] =	ssyncadd.s32 $0xFFFFD800  }
0x183: {  	[tilespmem:s7], [sflag:$0x2] =	stream.indirect.gather [hbm4b:s2+s9], $0x80, s12, s9, $0xb8;
	[tilespmem:$0x5C00] =	vst v63  }
0x184: {  	_ = 	snop  }
0x185: {  	[hbm4b:s6+s3] =	stream.linear.scatter [tilespmem:s10], [sflag:$0x3], $0x2800, $0x38;
	[tilespmem:$0x5C00] =	vst v63  }
0x186: {  	_ =	swait.ge [sflag:s4], $0x2800  }
0x187: {  	[sflag:s4] =	ssyncset.done $0x0  }
0x188: {  	[sflag:s4] =	ssyncadd.s32 $0xFFFFD800  }
0x189: {  	p1 =	sne.s32 s1, $0x1;
	_ =	swait.ge [sflag:s8], $0x2800  }
.Ltmp2:
0x18a: {  	[sflag:s8] =	ssyncset.done $0x0;
	(pc) =	sbr.rel @p1 .LBB2_2-.Ltmp2, $4  }
0x18b: {  	[sflag:s8] =	ssyncadd.s32 $0xFFFFD800  }
0x18c: {  	[hbm4b:s5+s3] =	stream.linear.scatter [tilespmem:s7], [sflag:$0x3], $0x2800, $0x38;
	[tilespmem:$0x5C00] =	vst v63  }
0x18d: {  	_ =	swait.ge [sflag:s4], $0x2800  }
0x18e: {  	s1 =	sadd.s32 $0xFFFFFFFF, s1;
	s0 =	rddreg [dreg:$0x4];
	[sflag:s4] =	ssyncset.done $0x0  }
.LBB2_3:
0x18f: {  	[sflag:s4] =	ssyncadd.s32 @p0 $0xFFFFD800  }
0x190: {  	[tilespmem:s3], [sflag:$0x3] =	stream.linear.gather [hbm4b:s0+s3], $0xA00, $0x38;
	[tilespmem:$0x5C00] =	vst v63  }
0x191: {  	_ =	swait.ge [sflag:s4], $0xA00  }
0x192: {  	[sflag:s4] =	ssyncset.done $0x0  }
0x193: {  	[sflag:s4] =	ssyncadd.s32 $0xFFFFF600  }
0x194: {  	[tilespmem:s10], [sflag:$0x1] =	stream.indirect.gather [hbm4b:s2+s9], $0x80, s3, s9, $0xb8;
	[tilespmem:$0x5C00] =	vst v63  }
0x195: {  	_ =	swait.ge [sflag:s11], $0x2800  }
0x196: {  	[sflag:s11] =	ssyncset.done $0x0  }
0x197: {  	[sflag:s11] =	ssyncadd.s32 $0xFFFFD800  }
0x198: {  	[tilespmem:s7], [sflag:$0x2] =	stream.indirect.gather [hbm4b:s2+s9], $0x80, s31, s9, $0xb8;
	[tilespmem:$0x5C00] =	vst v63  }
0x199: {  	s1 =	rddreg [dreg:$0x5]  }
0x19a: {  	[hbm4b:s1+s3] =	stream.linear.scatter [tilespmem:s10], [sflag:$0x3], $0x2800, $0x38;
	[tilespmem:$0x5C00] =	vst v63  }
0x19b: {  	_ =	swait.ge [sflag:s4], $0x2800  }
0x19c: {  	[sflag:s4] =	ssyncset.done $0x0  }
0x19d: {  	[sflag:s4] =	ssyncadd.s32 $0xFFFFD800  }
0x19e: {  	_ =	swait.ge [sflag:s8], $0x2800  }
0x19f: {  	[sflag:s8] =	ssyncset.done $0x0  }
0x1a0: {  	[sflag:s8] =	ssyncadd.s32 $0xFFFFD800  }
0x1a1: {  	[tilespmem:s10], [sflag:$0x1] =	stream.indirect.gather [hbm4b:s2+s9], $0x80, s30, s9, $0xb8;
	[tilespmem:$0x5C00] =	vst v63  }
0x1a2: {  	s1 =	rddreg [dreg:$0x6]  }
0x1a3: {  	[hbm4b:s1+s3] =	stream.linear.scatter [tilespmem:s7], [sflag:$0x3], $0x2800, $0x38;
	[tilespmem:$0x5C00] =	vst v63  }
0x1a4: {  	_ =	swait.ge [sflag:s4], $0x2800  }
0x1a5: {  	[sflag:s4] =	ssyncset.done $0x0  }
0x1a6: {  	[sflag:s4] =	ssyncadd.s32 $0xFFFFD800  }
0x1a7: {  	_ =	swait.ge [sflag:s11], $0x2800  }
0x1a8: {  	[sflag:s11] =	ssyncset.done $0x0  }
0x1a9: {  	[sflag:s11] =	ssyncadd.s32 $0xFFFFD800  }
0x1aa: {  	[tilespmem:s7], [sflag:$0x2] =	stream.indirect.gather [hbm4b:s2+s9], $0x80, s29, s9, $0xb8;
	[tilespmem:$0x5C00] =	vst v63  }
0x1ab: {  	s30 =	rddreg [dreg:$0x7]  }
0x1ac: {  	[hbm4b:s30+s3] =	stream.linear.scatter [tilespmem:s10], [sflag:$0x3], $0x2800, $0x38;
	[tilespmem:$0x5C00] =	vst v63  }
0x1ad: {  	_ =	swait.ge [sflag:s4], $0x2800  }
0x1ae: {  	[sflag:s4] =	ssyncset.done $0x0  }
0x1af: {  	[sflag:s4] =	ssyncadd.s32 $0xFFFFD800  }
0x1b0: {  	_ =	swait.ge [sflag:s8], $0x2800  }
0x1b1: {  	[sflag:s8] =	ssyncset.done $0x0  }
0x1b2: {  	[sflag:s8] =	ssyncadd.s32 $0xFFFFD800  }
0x1b3: {  	[tilespmem:s10], [sflag:$0x1] =	stream.indirect.gather [hbm4b:s2+s9], $0x80, s28, s9, $0xb8;
	[tilespmem:$0x5C00] =	vst v63  }
0x1b4: {  	s31 =	rddreg [dreg:$0x8]  }
0x1b5: {  	[hbm4b:s31+s3] =	stream.linear.scatter [tilespmem:s7], [sflag:$0x3], $0x2800, $0x38;
	[tilespmem:$0x5C00] =	vst v63  }
0x1b6: {  	_ =	swait.ge [sflag:s4], $0x2800  }
0x1b7: {  	[sflag:s4] =	ssyncset.done $0x0  }
0x1b8: {  	[sflag:s4] =	ssyncadd.s32 $0xFFFFD800  }
0x1b9: {  	_ =	swait.ge [sflag:s11], $0x2800  }
0x1ba: {  	[sflag:s11] =	ssyncset.done $0x0  }
0x1bb: {  	[sflag:s11] =	ssyncadd.s32 $0xFFFFD800  }
0x1bc: {  	[tilespmem:s7], [sflag:$0x2] =	stream.indirect.gather [hbm4b:s2+s9], $0x80, s26, s9, $0xb8;
	[tilespmem:$0x5C00] =	vst v63  }
0x1bd: {  	s1 =	rddreg [dreg:$0x9]  }
0x1be: {  	[hbm4b:s1+s3] =	stream.linear.scatter [tilespmem:s10], [sflag:$0x3], $0x2800, $0x38;
	[tilespmem:$0x5C00] =	vst v63  }
0x1bf: {  	_ =	swait.ge [sflag:s4], $0x2800  }
0x1c0: {  	[sflag:s4] =	ssyncset.done $0x0  }
0x1c1: {  	[sflag:s4] =	ssyncadd.s32 $0xFFFFD800  }
0x1c2: {  	_ =	swait.ge [sflag:s8], $0x2800  }
0x1c3: {  	[sflag:s8] =	ssyncset.done $0x0  }
0x1c4: {  	[sflag:s8] =	ssyncadd.s32 $0xFFFFD800  }
0x1c5: {  	[tilespmem:s10], [sflag:$0x1] =	stream.indirect.gather [hbm4b:s2+s9], $0x80, s25, s9, $0xb8;
	[tilespmem:$0x5C00] =	vst v63  }
0x1c6: {  	s28 =	rddreg [dreg:$0xa]  }
0x1c7: {  	[hbm4b:s28+s3] =	stream.linear.scatter [tilespmem:s7], [sflag:$0x3], $0x2800, $0x38;
	[tilespmem:$0x5C00] =	vst v63  }
0x1c8: {  	_ =	swait.ge [sflag:s4], $0x2800  }
0x1c9: {  	[sflag:s4] =	ssyncset.done $0x0  }
0x1ca: {  	[sflag:s4] =	ssyncadd.s32 $0xFFFFD800  }
0x1cb: {  	_ =	swait.ge [sflag:s11], $0x2800  }
0x1cc: {  	[sflag:s11] =	ssyncset.done $0x0  }
0x1cd: {  	[sflag:s11] =	ssyncadd.s32 $0xFFFFD800  }
0x1ce: {  	[tilespmem:s7], [sflag:$0x2] =	stream.indirect.gather [hbm4b:s2+s9], $0x80, s24, s9, $0xb8;
	[tilespmem:$0x5C00] =	vst v63  }
0x1cf: {  	s29 =	rddreg [dreg:$0xb]  }
0x1d0: {  	[hbm4b:s29+s3] =	stream.linear.scatter [tilespmem:s10], [sflag:$0x3], $0x2800, $0x38;
	[tilespmem:$0x5C00] =	vst v63  }
0x1d1: {  	_ =	swait.ge [sflag:s4], $0x2800  }
0x1d2: {  	[sflag:s4] =	ssyncset.done $0x0  }
0x1d3: {  	[sflag:s4] =	ssyncadd.s32 $0xFFFFD800  }
0x1d4: {  	_ =	swait.ge [sflag:s8], $0x2800  }
0x1d5: {  	[sflag:s8] =	ssyncset.done $0x0  }
0x1d6: {  	[sflag:s8] =	ssyncadd.s32 $0xFFFFD800  }
0x1d7: {  	[tilespmem:s10], [sflag:$0x1] =	stream.indirect.gather [hbm4b:s2+s9], $0x80, s23, s9, $0xb8;
	[tilespmem:$0x5C00] =	vst v63  }
0x1d8: {  	s30 =	rddreg [dreg:$0xc]  }
0x1d9: {  	[hbm4b:s30+s3] =	stream.linear.scatter [tilespmem:s7], [sflag:$0x3], $0x2800, $0x38;
	[tilespmem:$0x5C00] =	vst v63  }
0x1da: {  	_ =	swait.ge [sflag:s4], $0x2800  }
0x1db: {  	[sflag:s4] =	ssyncset.done $0x0  }
0x1dc: {  	[sflag:s4] =	ssyncadd.s32 $0xFFFFD800  }
0x1dd: {  	_ =	swait.ge [sflag:s11], $0x2800  }
0x1de: {  	[sflag:s11] =	ssyncset.done $0x0  }
0x1df: {  	[sflag:s11] =	ssyncadd.s32 $0xFFFFD800  }
0x1e0: {  	[tilespmem:s7], [sflag:$0x2] =	stream.indirect.gather [hbm4b:s2+s9], $0x80, s22, s9, $0xb8;
	[tilespmem:$0x5C00] =	vst v63  }
0x1e1: {  	s31 =	rddreg [dreg:$0xd]  }
0x1e2: {  	[hbm4b:s31+s3] =	stream.linear.scatter [tilespmem:s10], [sflag:$0x3], $0x2800, $0x38;
	[tilespmem:$0x5C00] =	vst v63  }
0x1e3: {  	_ =	swait.ge [sflag:s4], $0x2800  }
0x1e4: {  	[sflag:s4] =	ssyncset.done $0x0  }
0x1e5: {  	[sflag:s4] =	ssyncadd.s32 $0xFFFFD800  }
0x1e6: {  	_ =	swait.ge [sflag:s8], $0x2800  }
0x1e7: {  	[sflag:s8] =	ssyncset.done $0x0  }
0x1e8: {  	[sflag:s8] =	ssyncadd.s32 $0xFFFFD800  }
0x1e9: {  	[tilespmem:s10], [sflag:$0x1] =	stream.indirect.gather [hbm4b:s2+s9], $0x80, s21, s9, $0xb8;
	[tilespmem:$0x5C00] =	vst v63  }
0x1ea: {  	s1 =	rddreg [dreg:$0xe]  }
0x1eb: {  	[hbm4b:s1+s3] =	stream.linear.scatter [tilespmem:s7], [sflag:$0x3], $0x2800, $0x38;
	[tilespmem:$0x5C00] =	vst v63  }
0x1ec: {  	_ =	swait.ge [sflag:s4], $0x2800  }
0x1ed: {  	[sflag:s4] =	ssyncset.done $0x0  }
0x1ee: {  	[sflag:s4] =	ssyncadd.s32 $0xFFFFD800  }
0x1ef: {  	_ =	swait.ge [sflag:s11], $0x2800  }
0x1f0: {  	[sflag:s11] =	ssyncset.done $0x0  }
0x1f1: {  	[sflag:s11] =	ssyncadd.s32 $0xFFFFD800  }
0x1f2: {  	[tilespmem:s7], [sflag:$0x2] =	stream.indirect.gather [hbm4b:s2+s9], $0x80, s20, s9, $0xb8;
	[tilespmem:$0x5C00] =	vst v63  }
0x1f3: {  	s22 =	rddreg [dreg:$0xf]  }
0x1f4: {  	[hbm4b:s22+s3] =	stream.linear.scatter [tilespmem:s10], [sflag:$0x3], $0x2800, $0x38;
	[tilespmem:$0x5C00] =	vst v63  }
0x1f5: {  	_ =	swait.ge [sflag:s4], $0x2800  }
0x1f6: {  	[sflag:s4] =	ssyncset.done $0x0  }
0x1f7: {  	[sflag:s4] =	ssyncadd.s32 $0xFFFFD800  }
0x1f8: {  	_ =	swait.ge [sflag:s8], $0x2800  }
0x1f9: {  	[sflag:s8] =	ssyncset.done $0x0  }
0x1fa: {  	[sflag:s8] =	ssyncadd.s32 $0xFFFFD800  }
0x1fb: {  	[tilespmem:s10], [sflag:$0x1] =	stream.indirect.gather [hbm4b:s2+s9], $0x80, s19, s9, $0xb8;
	[tilespmem:$0x5C00] =	vst v63  }
0x1fc: {  	s23 =	rddreg [dreg:$0x10]  }
0x1fd: {  	[hbm4b:s23+s3] =	stream.linear.scatter [tilespmem:s7], [sflag:$0x3], $0x2800, $0x38;
	[tilespmem:$0x5C00] =	vst v63  }
0x1fe: {  	_ =	swait.ge [sflag:s4], $0x2800  }
0x1ff: {  	[sflag:s4] =	ssyncset.done $0x0  }
0x200: {  	[sflag:s4] =	ssyncadd.s32 $0xFFFFD800  }
0x201: {  	_ =	swait.ge [sflag:s11], $0x2800  }
0x202: {  	[sflag:s11] =	ssyncset.done $0x0  }
0x203: {  	[sflag:s11] =	ssyncadd.s32 $0xFFFFD800  }
0x204: {  	[tilespmem:s7], [sflag:$0x2] =	stream.indirect.gather [hbm4b:s2+s9], $0x80, s18, s9, $0xb8;
	[tilespmem:$0x5C00] =	vst v63  }
0x205: {  	s24 =	rddreg [dreg:$0x11]  }
0x206: {  	[hbm4b:s24+s3] =	stream.linear.scatter [tilespmem:s10], [sflag:$0x3], $0x2800, $0x38;
	[tilespmem:$0x5C00] =	vst v63  }
0x207: {  	_ =	swait.ge [sflag:s4], $0x2800  }
0x208: {  	[sflag:s4] =	ssyncset.done $0x0  }
0x209: {  	[sflag:s4] =	ssyncadd.s32 $0xFFFFD800  }
0x20a: {  	_ =	swait.ge [sflag:s8], $0x2800  }
0x20b: {  	[sflag:s8] =	ssyncset.done $0x0  }
0x20c: {  	[sflag:s8] =	ssyncadd.s32 $0xFFFFD800  }
0x20d: {  	[tilespmem:s10], [sflag:$0x1] =	stream.indirect.gather [hbm4b:s2+s9], $0x80, s17, s9, $0xb8;
	[tilespmem:$0x5C00] =	vst v63  }
0x20e: {  	s25 =	rddreg [dreg:$0x12]  }
0x20f: {  	[hbm4b:s25+s3] =	stream.linear.scatter [tilespmem:s7], [sflag:$0x3], $0x2800, $0x38;
	[tilespmem:$0x5C00] =	vst v63  }
0x210: {  	_ =	swait.ge [sflag:s4], $0x2800  }
0x211: {  	[sflag:s4] =	ssyncset.done $0x0  }
0x212: {  	[sflag:s4] =	ssyncadd.s32 $0xFFFFD800  }
0x213: {  	_ =	swait.ge [sflag:s11], $0x2800  }
0x214: {  	[sflag:s11] =	ssyncset.done $0x0  }
0x215: {  	[sflag:s11] =	ssyncadd.s32 $0xFFFFD800  }
0x216: {  	[tilespmem:s7], [sflag:$0x2] =	stream.indirect.gather [hbm4b:s2+s9], $0x80, s16, s9, $0xb8;
	[tilespmem:$0x5C00] =	vst v63  }
0x217: {  	s26 =	rddreg [dreg:$0x13]  }
0x218: {  	[hbm4b:s26+s3] =	stream.linear.scatter [tilespmem:s10], [sflag:$0x3], $0x2800, $0x38;
	[tilespmem:$0x5C00] =	vst v63  }
0x219: {  	_ =	swait.ge [sflag:s4], $0x2800  }
0x21a: {  	[sflag:s4] =	ssyncset.done $0x0  }
0x21b: {  	[sflag:s4] =	ssyncadd.s32 $0xFFFFD800  }
0x21c: {  	_ =	swait.ge [sflag:s8], $0x2800  }
0x21d: {  	[sflag:s8] =	ssyncset.done $0x0  }
0x21e: {  	[sflag:s8] =	ssyncadd.s32 $0xFFFFD800  }
0x21f: {  	[tilespmem:s10], [sflag:$0x1] =	stream.indirect.gather [hbm4b:s2+s9], $0x80, s15, s9, $0xb8;
	[tilespmem:$0x5C00] =	vst v63  }
0x220: {  	s28 =	rddreg [dreg:$0x14]  }
0x221: {  	[hbm4b:s28+s3] =	stream.linear.scatter [tilespmem:s7], [sflag:$0x3], $0x2800, $0x38;
	[tilespmem:$0x5C00] =	vst v63  }
0x222: {  	_ =	swait.ge [sflag:s4], $0x2800  }
0x223: {  	[sflag:s4] =	ssyncset.done $0x0  }
0x224: {  	[sflag:s4] =	ssyncadd.s32 $0xFFFFD800  }
0x225: {  	_ =	swait.ge [sflag:s11], $0x2800  }
0x226: {  	[sflag:s11] =	ssyncset.done $0x0  }
0x227: {  	[sflag:s11] =	ssyncadd.s32 $0xFFFFD800  }
0x228: {  	[tilespmem:s7], [sflag:$0x2] =	stream.indirect.gather [hbm4b:s2+s9], $0x80, s14, s9, $0xb8;
	[tilespmem:$0x5C00] =	vst v63  }
0x229: {  	s29 =	rddreg [dreg:$0x15]  }
0x22a: {  	[hbm4b:s29+s3] =	stream.linear.scatter [tilespmem:s10], [sflag:$0x3], $0x2800, $0x38;
	[tilespmem:$0x5C00] =	vst v63  }
0x22b: {  	_ =	swait.ge [sflag:s4], $0x2800  }
0x22c: {  	[sflag:s4] =	ssyncset.done $0x0  }
0x22d: {  	[sflag:s4] =	ssyncadd.s32 $0xFFFFD800  }
0x22e: {  	_ =	swait.ge [sflag:s8], $0x2800  }
0x22f: {  	[sflag:s8] =	ssyncset.done $0x0  }
0x230: {  	[sflag:s8] =	ssyncadd.s32 $0xFFFFD800  }
0x231: {  	[tilespmem:s10], [sflag:$0x1] =	stream.indirect.gather [hbm4b:s2+s9], $0x80, s13, s9, $0xb8;
	[tilespmem:$0x5C00] =	vst v63  }
0x232: {  	s30 =	rddreg [dreg:$0x16]  }
0x233: {  	[hbm4b:s30+s3] =	stream.linear.scatter [tilespmem:s7], [sflag:$0x3], $0x2800, $0x38;
	[tilespmem:$0x5C00] =	vst v63  }
0x234: {  	_ =	swait.ge [sflag:s4], $0x2800  }
0x235: {  	[sflag:s4] =	ssyncset.done $0x0  }
0x236: {  	[sflag:s4] =	ssyncadd.s32 $0xFFFFD800  }
0x237: {  	_ =	swait.ge [sflag:s11], $0x2800  }
0x238: {  	[sflag:s11] =	ssyncset.done $0x0  }
0x239: {  	[sflag:s11] =	ssyncadd.s32 $0xFFFFD800  }
0x23a: {  	[tilespmem:s7], [sflag:$0x2] =	stream.indirect.gather [hbm4b:s2+s9], $0x80, s12, s9, $0xb8;
	[tilespmem:$0x5C00] =	vst v63  }
0x23b: {  	_ = 	snop  }
0x23c: {  	[hbm4b:s6+s3] =	stream.linear.scatter [tilespmem:s10], [sflag:$0x3], $0x2800, $0x38;
	[tilespmem:$0x5C00] =	vst v63  }
0x23d: {  	_ =	swait.ge [sflag:s4], $0x2800  }
0x23e: {  	[sflag:s4] =	ssyncset.done $0x0  }
0x23f: {  	[sflag:s4] =	ssyncadd.s32 $0xFFFFD800  }
0x240: {  	_ =	swait.ge [sflag:s8], $0x2800  }
0x241: {  	[sflag:s8] =	ssyncset.done $0x0  }
0x242: {  	[sflag:s8] =	ssyncadd.s32 $0xFFFFD800  }
0x243: {  	[hbm4b:s5+s3] =	stream.linear.scatter [tilespmem:s7], [sflag:$0x3], $0x2800, $0x38;
	[tilespmem:$0x5C00] =	vst v63  }
0x244: {  	_ =	swait.ge [sflag:s4], $0x2800  }
0x245: {  	[sflag:s4] =	ssyncset.done $0x0  }
0x246: {  	[sflag:s4] =	ssyncadd.s32 $0xFFFFD800  }
0x247: {  	_ =	sfence.sel $0x180000  }
0x248: {  	[bflag:$0x0] =	sbarrier.arrive $0xFFFF  }
0x249: {  	_ =	strace $0x90000047  }
0x24a: {  	s31 =	stileid.u32;
	[bflag:$0x2] =	sbarrier.arrive $0xFFFF  }
0x24b: {  	p0 =	sne.s32 s31, $0x0;
	s0 =	rddreg [dreg:$0x3]  }
0x24c: {  	s0 =	sadd.s32 @!p0 $0x100000, s0  }
0x24d: {  	[sflag:s0] =	ssyncadd.tile.s32 @!p0 $0x1;
	_ =	shalt  }
.Lfunc_end2:
_tile_overlayer_lowered:
.L_overlay_start_2:
0x24e: {  	(tag) =	ssettag $0x2  }
0x24f: {  	s0 =	rddreg [dreg:$0x0];
	s2 =	stileid.u32  }
0x250: {  	s1 =	rddreg [dreg:$0x1];
	p0 =	sne.s32 s2, $0x0  }
0x251: {  	s3 =	rddreg [dreg:$0x2];
	[bflag:$0x3] =	sbarrier.arrive $0xFFFF;
	s2 =	simm.s32 @!p0 $0x1C03  }
0x252: {  	[timem:s3], [sflag:s2] =	dma.local @!p0 [hbm:s0], s1  }
0x253: {  	s0 =	simm.s32 @!p0 $0x3  }
0x254: {  	_ =	swait.ge @!p0 [sflag:s0], s1  }
0x255: {  	s1 =	ssub.s32 @!p0 $0x0, s1;
	[sflag:s0] =	ssyncset.done @!p0 $0x0  }
0x256: {  	[sflag:s0] =	ssyncadd.s32 @!p0 s1  }
0x257: {  	[bflag:$0x3] =	sbarrier.arrive $0xFFFF  }
0x258: {  	_ =	shalt  }

</sc_bundles>
